<compile_context>
chip_gen: v7x
topology: tpu7x:2x2x1
jax: 0.10.2.dev20260603
libtpu: 0.0.44.dev20260713+nightly
codegen_flags: <defaults>
</compile_context>

<pallas_src>
import functools
import math

import jax
import jax.numpy as jnp
from jax import lax
from jax.experimental import pallas as pl
from jax.experimental.pallas import tpu as pltpu
from jax.experimental.pallas import tpu_sc as plsc

D = 64
DP = 128
SCALE = math.sqrt(D)

_info = plsc.get_sparse_core_info()
NC, NS, L = _info.num_cores, _info.num_subcores, _info.num_lanes
NW = NC * NS

CH = 128
NBUF = 4
NWB = 2


@functools.lru_cache(maxsize=None)
def _make(steps):
    mesh = plsc.VectorSubcoreMesh(core_axis_name="c", subcore_axis_name="s")

    @functools.partial(
        pl.kernel,
        mesh=mesh,
        out_type=jax.ShapeDtypeStruct((NW, steps, CH, D), jnp.float32),
        scratch_types=[
            pltpu.VMEM((steps, CH), jnp.int32),
            [pltpu.VMEM((CH, DP), jnp.float32) for _ in range(NBUF)],
            [pltpu.VMEM((CH, D), jnp.float32) for _ in range(NWB)],
            [pltpu.SemaphoreType.DMA for _ in range(NBUF)],
            [pltpu.SemaphoreType.DMA for _ in range(NWB)],
        ],
        compiler_params=pltpu.CompilerParams(needs_layout_passes=False),
    )
    def k(x_hbm, table_hbm, out_hbm, idxv, gbufs, wbufs, gsems, wsems):
        wid = lax.axis_index("s") * NC + lax.axis_index("c")

        pltpu.sync_copy(x_hbm.at[wid], idxv)

        def g_desc(b, t):
            return pltpu.make_async_copy(
                table_hbm.at[idxv.at[t]], gbufs[b], gsems[b])

        def w_desc(b, t):
            return pltpu.make_async_copy(
                wbufs[b % NWB], out_hbm.at[wid, t], wsems[b % NWB])

        def scale_copy(gb, wb):
            @plsc.parallel_loop(0, CH, unroll=8)
            def _(r):
                for q in range(D // L):
                    wb[r, pl.ds(q * L, L)] = gb[r, pl.ds(q * L, L)] * SCALE

        for b in range(NBUF):
            g_desc(b, b).start()

        def rnd(i, c):
            s = i * NBUF
            for b in range(NBUF):
                t = s + b
                g_desc(b, t).wait()

                @pl.when(t >= NWB)
                def _():
                    w_desc(b, t - NWB).wait()

                scale_copy(gbufs[b], wbufs[b % NWB])

                @pl.when(t + NBUF < steps)
                def _():
                    g_desc(b, t + NBUF).start()

                w_desc(b, t).start()
            return c

        lax.fori_loop(0, steps // NBUF, rnd, 0)

        for b in range(NWB):
            w_desc(b, steps - NWB + b).wait()

    return k


@jax.jit
def kernel(x, embedding):
    s0, s1 = x.shape
    n = s0 * s1
    steps = n // (NW * CH)
    xr = x.reshape(NW, steps, CH).astype(jnp.int32)
    table2 = jnp.pad(embedding, ((0, 0), (0, DP - D)))
    out = _make(steps)(xr, table2)
    return out.reshape(s0, s1, D)

# --- scband reference (transcript-rebuilt; emitter-appended) ---
"""Pipeline reference for scband-input-embedding-76888504533661 (READ-ONLY COPY).

The authoritative reference and input builder live on the scoring server;
editing this copy changes nothing except your own understanding.
"""

import jax, jax.numpy as jnp
import numpy as np
import math

D_MODEL = 64
VOCAB_SIZE = 1000000

def setup_inputs(seed: int = 0) -> dict:
    key = jax.random.key(seed)
    k1, k2 = jax.random.split(key)
    x = jax.random.randint(k1, (4096, 200), 0, VOCAB_SIZE, dtype=jnp.int64 if jax.config.jax_enable_x64 else jnp.int32)
    embedding = jax.random.normal(k2, (VOCAB_SIZE, D_MODEL), dtype=jnp.float32)
    return {"x": x, "embedding": embedding}

def reference(x, embedding):
    # Faithful translation of InputEmbedding.forward:
    # embedding lookup followed by scaling with sqrt(d_model)
    out = jnp.take(embedding, x, axis=0) * math.sqrt(D_MODEL)
    return out

if __name__ == "__main__":
    import jax
    _d = setup_inputs()
    print(jax.jit(kernel)(*tuple(_d.values())))

</pallas_src>

<mosaic_0001>
#map = affine_map<(d0, d1) -> (0, 0, 0)>
#map1 = affine_map<(d0, d1) -> (0, 0)>
#map2 = affine_map<(d0, d1) -> (0, 0, 0, 0)>
module attributes {stable_mosaic.version = 14 : i64} {
  func.func @k(%arg0: i32, %arg1: i32, %arg2: memref<32x200x128xi32, #tpu.memory_space<hbm>>, %arg3: memref<1000000x128xf32, #tpu.memory_space<hbm>>, %arg4: memref<32x200x128x64xf32, #tpu.memory_space<hbm>>, %arg5: memref<200x128xi32, #tpu.memory_space<vmem>>, %arg6: memref<128x128xf32, #tpu.memory_space<vmem>>, %arg7: memref<128x128xf32, #tpu.memory_space<vmem>>, %arg8: memref<128x128xf32, #tpu.memory_space<vmem>>, %arg9: memref<128x128xf32, #tpu.memory_space<vmem>>, %arg10: memref<128x64xf32, #tpu.memory_space<vmem>>, %arg11: memref<128x64xf32, #tpu.memory_space<vmem>>, %arg12: memref<!tpu.dma_semaphore, #tpu.memory_space<semaphore_mem>>, %arg13: memref<!tpu.dma_semaphore, #tpu.memory_space<semaphore_mem>>, %arg14: memref<!tpu.dma_semaphore, #tpu.memory_space<semaphore_mem>>, %arg15: memref<!tpu.dma_semaphore, #tpu.memory_space<semaphore_mem>>, %arg16: memref<!tpu.dma_semaphore, #tpu.memory_space<semaphore_mem>>, %arg17: memref<!tpu.dma_semaphore, #tpu.memory_space<semaphore_mem>>) attributes {dimension_semantics = [#tpu.dimension_semantics<core_parallel>, #tpu.dimension_semantics<subcore_parallel>], iteration_bounds = array<i64: 2, 16>, scalar_prefetch = 0 : i64, scratch_operands = 13 : i64, tpu.core_type = #tpu.core_type<sc_vector_subcore>, window_params = [{transform_indices = #map}, {transform_indices = #map1}, {transform_indices = #map2}]} {
    %mul3A = arith.constant 2 : i32
    %mul3A_0 = arith.muli %arg1, %mul3A : i32
    %add3A = arith.addi %mul3A_0, %arg0 : i32
    "tpu.region"() ({
      %run_scoped3A = tpu.sem_alloc : memref<!tpu.dma_semaphore, #tpu.memory_space<semaphore_mem>>
      %dma_start3A_50 = arith.constant 0 : i32
      %dma_start3A_51 = arith.constant 0 : i32
      %dma_start3A_52 = tpu.memref_slice %arg2[%add3A, %dma_start3A_50, %dma_start3A_51] : memref<32x200x128xi32, #tpu.memory_space<hbm>> -> memref<1x200x128xi32, #tpu.memory_space<hbm>>
      %dma_start3A_53 = tpu.memref_squeeze %dma_start3A_52 : memref<1x200x128xi32, #tpu.memory_space<hbm>> -> memref<200x128xi32, #tpu.memory_space<hbm>>
      %dma_start3A_54 = arith.constant 0 : i32
      %dma_start3A_55 = arith.constant 0 : i32
      %dma_start3A_56 = tpu.memref_slice %arg2[%add3A, %dma_start3A_54, %dma_start3A_55] : memref<32x200x128xi32, #tpu.memory_space<hbm>> -> memref<1x200x128xi32, #tpu.memory_space<hbm>>
      %dma_start3A_57 = tpu.memref_squeeze %dma_start3A_56 : memref<1x200x128xi32, #tpu.memory_space<hbm>> -> memref<200x128xi32, #tpu.memory_space<hbm>>
      tpu.enqueue_dma source(%dma_start3A_57 : memref<200x128xi32, #tpu.memory_space<hbm>>) target(%arg5 : memref<200x128xi32, #tpu.memory_space<vmem>>) target_semaphore(%run_scoped3A : memref<!tpu.dma_semaphore, #tpu.memory_space<semaphore_mem>>)
      %dma_wait3A_58 = arith.constant 0 : i32
      %dma_wait3A_59 = arith.constant 0 : i32
      %dma_wait3A_60 = tpu.memref_slice %arg2[%add3A, %dma_wait3A_58, %dma_wait3A_59] : memref<32x200x128xi32, #tpu.memory_space<hbm>> -> memref<1x200x128xi32, #tpu.memory_space<hbm>>
      %dma_wait3A_61 = tpu.memref_squeeze %dma_wait3A_60 : memref<1x200x128xi32, #tpu.memory_space<hbm>> -> memref<200x128xi32, #tpu.memory_space<hbm>>
      %dma_wait3A_62 = arith.constant 0 : i32
      %dma_wait3A_63 = arith.constant 0 : i32
      %dma_wait3A_64 = tpu.memref_slice %arg2[%add3A, %dma_wait3A_62, %dma_wait3A_63] : memref<32x200x128xi32, #tpu.memory_space<hbm>> -> memref<1x200x128xi32, #tpu.memory_space<hbm>>
      %dma_wait3A_65 = tpu.memref_squeeze %dma_wait3A_64 : memref<1x200x128xi32, #tpu.memory_space<hbm>> -> memref<200x128xi32, #tpu.memory_space<hbm>>
      tpu.wait_dma2 semaphore(%run_scoped3A : memref<!tpu.dma_semaphore, #tpu.memory_space<semaphore_mem>>) src(%dma_wait3A_65 : memref<200x128xi32, #tpu.memory_space<hbm>>) dst(%arg5 : memref<200x128xi32, #tpu.memory_space<vmem>>)
      tpu.yield
    }) : () -> ()
    %dma_start3A = arith.constant 0 : i32
    %dma_start3A_1 = arith.constant 0 : i32
    %dma_start3A_2 = tpu.memref_slice %arg5[%dma_start3A, %dma_start3A_1] : memref<200x128xi32, #tpu.memory_space<vmem>> -> memref<1x128xi32, #tpu.memory_space<vmem>>
    %dma_start3A_3 = tpu.memref_squeeze %dma_start3A_2 : memref<1x128xi32, #tpu.memory_space<vmem>> -> memref<128xi32, #tpu.memory_space<vmem>>
    %dma_start3A_4 = arith.constant 0 : i32
    %dma_start3A_5 = arith.constant 0 : i32
    %dma_start3A_6 = tpu.memref_slice %arg3[%dma_start3A_4, %dma_start3A_5] : memref<1000000x128xf32, #tpu.memory_space<hbm>> -> memref<1000000x128xf32, #tpu.memory_space<hbm>>
    tpu.enqueue_indirect_dma source(%dma_start3A_6 : memref<1000000x128xf32, #tpu.memory_space<hbm>>) target(%arg6 : memref<128x128xf32, #tpu.memory_space<vmem>>) offsets(%dma_start3A_3 : memref<128xi32, #tpu.memory_space<vmem>>) semaphore(%arg12 : memref<!tpu.dma_semaphore, #tpu.memory_space<semaphore_mem>>)
    %dma_start3A_7 = arith.constant 1 : i32
    %dma_start3A_8 = arith.constant 0 : i32
    %dma_start3A_9 = tpu.memref_slice %arg5[%dma_start3A_7, %dma_start3A_8] : memref<200x128xi32, #tpu.memory_space<vmem>> -> memref<1x128xi32, #tpu.memory_space<vmem>>
    %dma_start3A_10 = tpu.memref_squeeze %dma_start3A_9 : memref<1x128xi32, #tpu.memory_space<vmem>> -> memref<128xi32, #tpu.memory_space<vmem>>
    %dma_start3A_11 = arith.constant 0 : i32
    %dma_start3A_12 = arith.constant 0 : i32
    %dma_start3A_13 = tpu.memref_slice %arg3[%dma_start3A_11, %dma_start3A_12] : memref<1000000x128xf32, #tpu.memory_space<hbm>> -> memref<1000000x128xf32, #tpu.memory_space<hbm>>
    tpu.enqueue_indirect_dma source(%dma_start3A_13 : memref<1000000x128xf32, #tpu.memory_space<hbm>>) target(%arg7 : memref<128x128xf32, #tpu.memory_space<vmem>>) offsets(%dma_start3A_10 : memref<128xi32, #tpu.memory_space<vmem>>) semaphore(%arg13 : memref<!tpu.dma_semaphore, #tpu.memory_space<semaphore_mem>>)
    %dma_start3A_14 = arith.constant 2 : i32
    %dma_start3A_15 = arith.constant 0 : i32
    %dma_start3A_16 = tpu.memref_slice %arg5[%dma_start3A_14, %dma_start3A_15] : memref<200x128xi32, #tpu.memory_space<vmem>> -> memref<1x128xi32, #tpu.memory_space<vmem>>
    %dma_start3A_17 = tpu.memref_squeeze %dma_start3A_16 : memref<1x128xi32, #tpu.memory_space<vmem>> -> memref<128xi32, #tpu.memory_space<vmem>>
    %dma_start3A_18 = arith.constant 0 : i32
    %dma_start3A_19 = arith.constant 0 : i32
    %dma_start3A_20 = tpu.memref_slice %arg3[%dma_start3A_18, %dma_start3A_19] : memref<1000000x128xf32, #tpu.memory_space<hbm>> -> memref<1000000x128xf32, #tpu.memory_space<hbm>>
    tpu.enqueue_indirect_dma source(%dma_start3A_20 : memref<1000000x128xf32, #tpu.memory_space<hbm>>) target(%arg8 : memref<128x128xf32, #tpu.memory_space<vmem>>) offsets(%dma_start3A_17 : memref<128xi32, #tpu.memory_space<vmem>>) semaphore(%arg14 : memref<!tpu.dma_semaphore, #tpu.memory_space<semaphore_mem>>)
    %dma_start3A_21 = arith.constant 3 : i32
    %dma_start3A_22 = arith.constant 0 : i32
    %dma_start3A_23 = tpu.memref_slice %arg5[%dma_start3A_21, %dma_start3A_22] : memref<200x128xi32, #tpu.memory_space<vmem>> -> memref<1x128xi32, #tpu.memory_space<vmem>>
    %dma_start3A_24 = tpu.memref_squeeze %dma_start3A_23 : memref<1x128xi32, #tpu.memory_space<vmem>> -> memref<128xi32, #tpu.memory_space<vmem>>
    %dma_start3A_25 = arith.constant 0 : i32
    %dma_start3A_26 = arith.constant 0 : i32
    %dma_start3A_27 = tpu.memref_slice %arg3[%dma_start3A_25, %dma_start3A_26] : memref<1000000x128xf32, #tpu.memory_space<hbm>> -> memref<1000000x128xf32, #tpu.memory_space<hbm>>
    tpu.enqueue_indirect_dma source(%dma_start3A_27 : memref<1000000x128xf32, #tpu.memory_space<hbm>>) target(%arg9 : memref<128x128xf32, #tpu.memory_space<vmem>>) offsets(%dma_start3A_24 : memref<128xi32, #tpu.memory_space<vmem>>) semaphore(%arg15 : memref<!tpu.dma_semaphore, #tpu.memory_space<semaphore_mem>>)
    %scan3A = arith.constant 0 : i32
    %scan3A_28 = arith.constant 0 : i32
    %scan3A_29 = arith.constant 50 : i32
    %scan3A_30 = arith.addi %scan3A_28, %scan3A_29 : i32
    %scan3A_31 = arith.constant 1 : i32
    scf.for %scan3A_50 = %scan3A_28 to %scan3A_30 step %scan3A_31  : i32 {
      %mul3A_51 = arith.constant 4 : i32
      %mul3A_52 = arith.muli %scan3A_50, %mul3A_51 : i32
      %add3A_53 = arith.constant 0 : i32
      %add3A_54 = arith.addi %mul3A_52, %add3A_53 : i32
      %dma_wait3A_55 = arith.constant 0 : i32
      %dma_wait3A_56 = tpu.memref_slice %arg5[%add3A_54, %dma_wait3A_55] : memref<200x128xi32, #tpu.memory_space<vmem>> -> memref<1x128xi32, #tpu.memory_space<vmem>>
      %dma_wait3A_57 = tpu.memref_squeeze %dma_wait3A_56 : memref<1x128xi32, #tpu.memory_space<vmem>> -> memref<128xi32, #tpu.memory_space<vmem>>
      %dma_wait3A_58 = arith.constant 0 : i32
      %dma_wait3A_59 = arith.constant 0 : i32
      %dma_wait3A_60 = tpu.memref_slice %arg3[%dma_wait3A_58, %dma_wait3A_59] : memref<1000000x128xf32, #tpu.memory_space<hbm>> -> memref<1000000x128xf32, #tpu.memory_space<hbm>>
      tpu.wait_indirect_dma semaphore(%arg12 : memref<!tpu.dma_semaphore, #tpu.memory_space<semaphore_mem>>) src(%dma_wait3A_60 : memref<1000000x128xf32, #tpu.memory_space<hbm>>) dst(%arg6 : memref<128x128xf32, #tpu.memory_space<vmem>>)
      %ge3A = arith.constant 2 : i32
      %ge3A_61 = arith.cmpi sge, %add3A_54, %ge3A : i32
      %convert_element_type3A = arith.extui %ge3A_61 : i1 to i32
      %cond3A = arith.constant 0 : i32
      %cond3A_62 = arith.cmpi ne, %convert_element_type3A, %cond3A : i32
      scf.if %cond3A_62 {
        %sub3A = arith.constant 2 : i32
        %sub3A_172 = arith.subi %add3A_54, %sub3A : i32
        %dma_wait3A_173 = arith.constant 0 : i32
        %dma_wait3A_174 = arith.constant 0 : i32
        %dma_wait3A_175 = tpu.memref_slice %arg4[%add3A, %sub3A_172, %dma_wait3A_173, %dma_wait3A_174] : memref<32x200x128x64xf32, #tpu.memory_space<hbm>> -> memref<1x1x128x64xf32, #tpu.memory_space<hbm>>
        %dma_wait3A_176 = tpu.memref_squeeze %dma_wait3A_175 : memref<1x1x128x64xf32, #tpu.memory_space<hbm>> -> memref<128x64xf32, #tpu.memory_space<hbm>>
        %dma_wait3A_177 = arith.constant 0 : i32
        %dma_wait3A_178 = arith.constant 0 : i32
        %dma_wait3A_179 = tpu.memref_slice %arg4[%add3A, %sub3A_172, %dma_wait3A_177, %dma_wait3A_178] : memref<32x200x128x64xf32, #tpu.memory_space<hbm>> -> memref<1x1x128x64xf32, #tpu.memory_space<hbm>>
        %dma_wait3A_180 = tpu.memref_squeeze %dma_wait3A_179 : memref<1x1x128x64xf32, #tpu.memory_space<hbm>> -> memref<128x64xf32, #tpu.memory_space<hbm>>
        tpu.wait_dma2 semaphore(%arg16 : memref<!tpu.dma_semaphore, #tpu.memory_space<semaphore_mem>>) src(%arg10 : memref<128x64xf32, #tpu.memory_space<vmem>>) dst(%dma_wait3A_180 : memref<128x64xf32, #tpu.memory_space<hbm>>)
      } else {
      }
      %parallel_loop3A = arith.constant 0 : i32
      %parallel_loop3A_63 = arith.constant 128 : i32
      %parallel_loop3A_64 = arith.constant 1 : i32
      scf.for %parallel_loop3A_172 = %parallel_loop3A to %parallel_loop3A_63 step %parallel_loop3A_64  : i32 {
        %parallel_loop3A_173 = arith.index_cast %parallel_loop3A_172 : i32 to index
        %parallel_loop3A_174 = arith.constant 0 : index
        %parallel_loop3A_175 = tpu.vector_load %arg6[%parallel_loop3A_173, %parallel_loop3A_174] {strides = array<i32>} : memref<128x128xf32, #tpu.memory_space<vmem>>, vector<16xf32>,
        %parallel_loop3A_176 = arith.constant 8.000000e+00 : f32
        %parallel_loop3A_177 = vector.broadcast %parallel_loop3A_176 : f32 to vector<16xf32>
        %parallel_loop3A_178 = arith.mulf %parallel_loop3A_175, %parallel_loop3A_177 : vector<16xf32>
        %parallel_loop3A_179 = arith.index_cast %parallel_loop3A_172 : i32 to index
        %parallel_loop3A_180 = arith.constant 0 : index
        %parallel_loop3A_181 = tpu.vector_load %arg10[%parallel_loop3A_179, %parallel_loop3A_180] {strides = array<i32>} : memref<128x64xf32, #tpu.memory_space<vmem>>, vector<16xf32>,
        tpu.vector_store %arg10[%parallel_loop3A_179, %parallel_loop3A_180], %parallel_loop3A_178 {strides = array<i32>} : memref<128x64xf32, #tpu.memory_space<vmem>>, vector<16xf32>,
        %parallel_loop3A_182 = arith.index_cast %parallel_loop3A_172 : i32 to index
        %parallel_loop3A_183 = arith.constant 16 : index
        %parallel_loop3A_184 = tpu.vector_load %arg6[%parallel_loop3A_182, %parallel_loop3A_183] {strides = array<i32>} : memref<128x128xf32, #tpu.memory_space<vmem>>, vector<16xf32>,
        %parallel_loop3A_185 = arith.constant 8.000000e+00 : f32
        %parallel_loop3A_186 = vector.broadcast %parallel_loop3A_185 : f32 to vector<16xf32>
        %parallel_loop3A_187 = arith.mulf %parallel_loop3A_184, %parallel_loop3A_186 : vector<16xf32>
        %parallel_loop3A_188 = arith.index_cast %parallel_loop3A_172 : i32 to index
        %parallel_loop3A_189 = arith.constant 16 : index
        %parallel_loop3A_190 = tpu.vector_load %arg10[%parallel_loop3A_188, %parallel_loop3A_189] {strides = array<i32>} : memref<128x64xf32, #tpu.memory_space<vmem>>, vector<16xf32>,
        tpu.vector_store %arg10[%parallel_loop3A_188, %parallel_loop3A_189], %parallel_loop3A_187 {strides = array<i32>} : memref<128x64xf32, #tpu.memory_space<vmem>>, vector<16xf32>,
        %parallel_loop3A_191 = arith.index_cast %parallel_loop3A_172 : i32 to index
        %parallel_loop3A_192 = arith.constant 32 : index
        %parallel_loop3A_193 = tpu.vector_load %arg6[%parallel_loop3A_191, %parallel_loop3A_192] {strides = array<i32>} : memref<128x128xf32, #tpu.memory_space<vmem>>, vector<16xf32>,
        %parallel_loop3A_194 = arith.constant 8.000000e+00 : f32
        %parallel_loop3A_195 = vector.broadcast %parallel_loop3A_194 : f32 to vector<16xf32>
        %parallel_loop3A_196 = arith.mulf %parallel_loop3A_193, %parallel_loop3A_195 : vector<16xf32>
        %parallel_loop3A_197 = arith.index_cast %parallel_loop3A_172 : i32 to index
        %parallel_loop3A_198 = arith.constant 32 : index
        %parallel_loop3A_199 = tpu.vector_load %arg10[%parallel_loop3A_197, %parallel_loop3A_198] {strides = array<i32>} : memref<128x64xf32, #tpu.memory_space<vmem>>, vector<16xf32>,
        tpu.vector_store %arg10[%parallel_loop3A_197, %parallel_loop3A_198], %parallel_loop3A_196 {strides = array<i32>} : memref<128x64xf32, #tpu.memory_space<vmem>>, vector<16xf32>,
        %parallel_loop3A_200 = arith.index_cast %parallel_loop3A_172 : i32 to index
        %parallel_loop3A_201 = arith.constant 48 : index
        %parallel_loop3A_202 = tpu.vector_load %arg6[%parallel_loop3A_200, %parallel_loop3A_201] {strides = array<i32>} : memref<128x128xf32, #tpu.memory_space<vmem>>, vector<16xf32>,
        %parallel_loop3A_203 = arith.constant 8.000000e+00 : f32
        %parallel_loop3A_204 = vector.broadcast %parallel_loop3A_203 : f32 to vector<16xf32>
        %parallel_loop3A_205 = arith.mulf %parallel_loop3A_202, %parallel_loop3A_204 : vector<16xf32>
        %parallel_loop3A_206 = arith.index_cast %parallel_loop3A_172 : i32 to index
        %parallel_loop3A_207 = arith.constant 48 : index
        %parallel_loop3A_208 = tpu.vector_load %arg10[%parallel_loop3A_206, %parallel_loop3A_207] {strides = array<i32>} : memref<128x64xf32, #tpu.memory_space<vmem>>, vector<16xf32>,
        tpu.vector_store %arg10[%parallel_loop3A_206, %parallel_loop3A_207], %parallel_loop3A_205 {strides = array<i32>} : memref<128x64xf32, #tpu.memory_space<vmem>>, vector<16xf32>,
      } {sc.loop_unroll_factor = 8 : i64, sc.parallel_access}
      %add3A_65 = arith.constant 4 : i32
      %add3A_66 = arith.addi %add3A_54, %add3A_65 : i32
      %lt3A = arith.constant 200 : i32
      %lt3A_67 = arith.cmpi slt, %add3A_66, %lt3A : i32
      %convert_element_type3A_68 = arith.extui %lt3A_67 : i1 to i32
      %cond3A_69 = arith.constant 0 : i32
      %cond3A_70 = arith.cmpi ne, %convert_element_type3A_68, %cond3A_69 : i32
      scf.if %cond3A_70 {
        %add3A_172 = arith.constant 4 : i32
        %add3A_173 = arith.addi %add3A_54, %add3A_172 : i32
        %dma_start3A_174 = arith.constant 0 : i32
        %dma_start3A_175 = tpu.memref_slice %arg5[%add3A_173, %dma_start3A_174] : memref<200x128xi32, #tpu.memory_space<vmem>> -> memref<1x128xi32, #tpu.memory_space<vmem>>
        %dma_start3A_176 = tpu.memref_squeeze %dma_start3A_175 : memref<1x128xi32, #tpu.memory_space<vmem>> -> memref<128xi32, #tpu.memory_space<vmem>>
        %dma_start3A_177 = arith.constant 0 : i32
        %dma_start3A_178 = arith.constant 0 : i32
        %dma_start3A_179 = tpu.memref_slice %arg3[%dma_start3A_177, %dma_start3A_178] : memref<1000000x128xf32, #tpu.memory_space<hbm>> -> memref<1000000x128xf32, #tpu.memory_space<hbm>>
        tpu.enqueue_indirect_dma source(%dma_start3A_179 : memref<1000000x128xf32, #tpu.memory_space<hbm>>) target(%arg6 : memref<128x128xf32, #tpu.memory_space<vmem>>) offsets(%dma_start3A_176 : memref<128xi32, #tpu.memory_space<vmem>>) semaphore(%arg12 : memref<!tpu.dma_semaphore, #tpu.memory_space<semaphore_mem>>)
      } else {
      }
      %dma_start3A_71 = arith.constant 0 : i32
      %dma_start3A_72 = arith.constant 0 : i32
      %dma_start3A_73 = tpu.memref_slice %arg4[%add3A, %add3A_54, %dma_start3A_71, %dma_start3A_72] : memref<32x200x128x64xf32, #tpu.memory_space<hbm>> -> memref<1x1x128x64xf32, #tpu.memory_space<hbm>>
      %dma_start3A_74 = tpu.memref_squeeze %dma_start3A_73 : memref<1x1x128x64xf32, #tpu.memory_space<hbm>> -> memref<128x64xf32, #tpu.memory_space<hbm>>
      %dma_start3A_75 = arith.constant 0 : i32
      %dma_start3A_76 = arith.constant 0 : i32
      %dma_start3A_77 = tpu.memref_slice %arg4[%add3A, %add3A_54, %dma_start3A_75, %dma_start3A_76] : memref<32x200x128x64xf32, #tpu.memory_space<hbm>> -> memref<1x1x128x64xf32, #tpu.memory_space<hbm>>
      %dma_start3A_78 = tpu.memref_squeeze %dma_start3A_77 : memref<1x1x128x64xf32, #tpu.memory_space<hbm>> -> memref<128x64xf32, #tpu.memory_space<hbm>>
      tpu.enqueue_dma source(%arg10 : memref<128x64xf32, #tpu.memory_space<vmem>>) target(%dma_start3A_78 : memref<128x64xf32, #tpu.memory_space<hbm>>) target_semaphore(%arg16 : memref<!tpu.dma_semaphore, #tpu.memory_space<semaphore_mem>>)
      %add3A_79 = arith.constant 1 : i32
      %add3A_80 = arith.addi %mul3A_52, %add3A_79 : i32
      %dma_wait3A_81 = arith.constant 0 : i32
      %dma_wait3A_82 = tpu.memref_slice %arg5[%add3A_80, %dma_wait3A_81] : memref<200x128xi32, #tpu.memory_space<vmem>> -> memref<1x128xi32, #tpu.memory_space<vmem>>
      %dma_wait3A_83 = tpu.memref_squeeze %dma_wait3A_82 : memref<1x128xi32, #tpu.memory_space<vmem>> -> memref<128xi32, #tpu.memory_space<vmem>>
      %dma_wait3A_84 = arith.constant 0 : i32
      %dma_wait3A_85 = arith.constant 0 : i32
      %dma_wait3A_86 = tpu.memref_slice %arg3[%dma_wait3A_84, %dma_wait3A_85] : memref<1000000x128xf32, #tpu.memory_space<hbm>> -> memref<1000000x128xf32, #tpu.memory_space<hbm>>
      tpu.wait_indirect_dma semaphore(%arg13 : memref<!tpu.dma_semaphore, #tpu.memory_space<semaphore_mem>>) src(%dma_wait3A_86 : memref<1000000x128xf32, #tpu.memory_space<hbm>>) dst(%arg7 : memref<128x128xf32, #tpu.memory_space<vmem>>)
      %ge3A_87 = arith.constant 2 : i32
      %ge3A_88 = arith.cmpi sge, %add3A_80, %ge3A_87 : i32
      %convert_element_type3A_89 = arith.extui %ge3A_88 : i1 to i32
      %cond3A_90 = arith.constant 0 : i32
      %cond3A_91 = arith.cmpi ne, %convert_element_type3A_89, %cond3A_90 : i32
      scf.if %cond3A_91 {
        %sub3A = arith.constant 2 : i32
        %sub3A_172 = arith.subi %add3A_80, %sub3A : i32
        %dma_wait3A_173 = arith.constant 0 : i32
        %dma_wait3A_174 = arith.constant 0 : i32
        %dma_wait3A_175 = tpu.memref_slice %arg4[%add3A, %sub3A_172, %dma_wait3A_173, %dma_wait3A_174] : memref<32x200x128x64xf32, #tpu.memory_space<hbm>> -> memref<1x1x128x64xf32, #tpu.memory_space<hbm>>
        %dma_wait3A_176 = tpu.memref_squeeze %dma_wait3A_175 : memref<1x1x128x64xf32, #tpu.memory_space<hbm>> -> memref<128x64xf32, #tpu.memory_space<hbm>>
        %dma_wait3A_177 = arith.constant 0 : i32
        %dma_wait3A_178 = arith.constant 0 : i32
        %dma_wait3A_179 = tpu.memref_slice %arg4[%add3A, %sub3A_172, %dma_wait3A_177, %dma_wait3A_178] : memref<32x200x128x64xf32, #tpu.memory_space<hbm>> -> memref<1x1x128x64xf32, #tpu.memory_space<hbm>>
        %dma_wait3A_180 = tpu.memref_squeeze %dma_wait3A_179 : memref<1x1x128x64xf32, #tpu.memory_space<hbm>> -> memref<128x64xf32, #tpu.memory_space<hbm>>
        tpu.wait_dma2 semaphore(%arg17 : memref<!tpu.dma_semaphore, #tpu.memory_space<semaphore_mem>>) src(%arg11 : memref<128x64xf32, #tpu.memory_space<vmem>>) dst(%dma_wait3A_180 : memref<128x64xf32, #tpu.memory_space<hbm>>)
      } else {
      }
      %parallel_loop3A_92 = arith.constant 0 : i32
      %parallel_loop3A_93 = arith.constant 128 : i32
      %parallel_loop3A_94 = arith.constant 1 : i32
      scf.for %parallel_loop3A_172 = %parallel_loop3A_92 to %parallel_loop3A_93 step %parallel_loop3A_94  : i32 {
        %parallel_loop3A_173 = arith.index_cast %parallel_loop3A_172 : i32 to index
        %parallel_loop3A_174 = arith.constant 0 : index
        %parallel_loop3A_175 = tpu.vector_load %arg7[%parallel_loop3A_173, %parallel_loop3A_174] {strides = array<i32>} : memref<128x128xf32, #tpu.memory_space<vmem>>, vector<16xf32>,
        %parallel_loop3A_176 = arith.constant 8.000000e+00 : f32
        %parallel_loop3A_177 = vector.broadcast %parallel_loop3A_176 : f32 to vector<16xf32>
        %parallel_loop3A_178 = arith.mulf %parallel_loop3A_175, %parallel_loop3A_177 : vector<16xf32>
        %parallel_loop3A_179 = arith.index_cast %parallel_loop3A_172 : i32 to index
        %parallel_loop3A_180 = arith.constant 0 : index
        %parallel_loop3A_181 = tpu.vector_load %arg11[%parallel_loop3A_179, %parallel_loop3A_180] {strides = array<i32>} : memref<128x64xf32, #tpu.memory_space<vmem>>, vector<16xf32>,
        tpu.vector_store %arg11[%parallel_loop3A_179, %parallel_loop3A_180], %parallel_loop3A_178 {strides = array<i32>} : memref<128x64xf32, #tpu.memory_space<vmem>>, vector<16xf32>,
        %parallel_loop3A_182 = arith.index_cast %parallel_loop3A_172 : i32 to index
        %parallel_loop3A_183 = arith.constant 16 : index
        %parallel_loop3A_184 = tpu.vector_load %arg7[%parallel_loop3A_182, %parallel_loop3A_183] {strides = array<i32>} : memref<128x128xf32, #tpu.memory_space<vmem>>, vector<16xf32>,
        %parallel_loop3A_185 = arith.constant 8.000000e+00 : f32
        %parallel_loop3A_186 = vector.broadcast %parallel_loop3A_185 : f32 to vector<16xf32>
        %parallel_loop3A_187 = arith.mulf %parallel_loop3A_184, %parallel_loop3A_186 : vector<16xf32>
        %parallel_loop3A_188 = arith.index_cast %parallel_loop3A_172 : i32 to index
        %parallel_loop3A_189 = arith.constant 16 : index
        %parallel_loop3A_190 = tpu.vector_load %arg11[%parallel_loop3A_188, %parallel_loop3A_189] {strides = array<i32>} : memref<128x64xf32, #tpu.memory_space<vmem>>, vector<16xf32>,
        tpu.vector_store %arg11[%parallel_loop3A_188, %parallel_loop3A_189], %parallel_loop3A_187 {strides = array<i32>} : memref<128x64xf32, #tpu.memory_space<vmem>>, vector<16xf32>,
        %parallel_loop3A_191 = arith.index_cast %parallel_loop3A_172 : i32 to index
        %parallel_loop3A_192 = arith.constant 32 : index
        %parallel_loop3A_193 = tpu.vector_load %arg7[%parallel_loop3A_191, %parallel_loop3A_192] {strides = array<i32>} : memref<128x128xf32, #tpu.memory_space<vmem>>, vector<16xf32>,
        %parallel_loop3A_194 = arith.constant 8.000000e+00 : f32
        %parallel_loop3A_195 = vector.broadcast %parallel_loop3A_194 : f32 to vector<16xf32>
        %parallel_loop3A_196 = arith.mulf %parallel_loop3A_193, %parallel_loop3A_195 : vector<16xf32>
        %parallel_loop3A_197 = arith.index_cast %parallel_loop3A_172 : i32 to index
        %parallel_loop3A_198 = arith.constant 32 : index
        %parallel_loop3A_199 = tpu.vector_load %arg11[%parallel_loop3A_197, %parallel_loop3A_198] {strides = array<i32>} : memref<128x64xf32, #tpu.memory_space<vmem>>, vector<16xf32>,
        tpu.vector_store %arg11[%parallel_loop3A_197, %parallel_loop3A_198], %parallel_loop3A_196 {strides = array<i32>} : memref<128x64xf32, #tpu.memory_space<vmem>>, vector<16xf32>,
        %parallel_loop3A_200 = arith.index_cast %parallel_loop3A_172 : i32 to index
        %parallel_loop3A_201 = arith.constant 48 : index
        %parallel_loop3A_202 = tpu.vector_load %arg7[%parallel_loop3A_200, %parallel_loop3A_201] {strides = array<i32>} : memref<128x128xf32, #tpu.memory_space<vmem>>, vector<16xf32>,
        %parallel_loop3A_203 = arith.constant 8.000000e+00 : f32
        %parallel_loop3A_204 = vector.broadcast %parallel_loop3A_203 : f32 to vector<16xf32>
        %parallel_loop3A_205 = arith.mulf %parallel_loop3A_202, %parallel_loop3A_204 : vector<16xf32>
        %parallel_loop3A_206 = arith.index_cast %parallel_loop3A_172 : i32 to index
        %parallel_loop3A_207 = arith.constant 48 : index
        %parallel_loop3A_208 = tpu.vector_load %arg11[%parallel_loop3A_206, %parallel_loop3A_207] {strides = array<i32>} : memref<128x64xf32, #tpu.memory_space<vmem>>, vector<16xf32>,
        tpu.vector_store %arg11[%parallel_loop3A_206, %parallel_loop3A_207], %parallel_loop3A_205 {strides = array<i32>} : memref<128x64xf32, #tpu.memory_space<vmem>>, vector<16xf32>,
      } {sc.loop_unroll_factor = 8 : i64, sc.parallel_access}
      %add3A_95 = arith.constant 4 : i32
      %add3A_96 = arith.addi %add3A_80, %add3A_95 : i32
      %lt3A_97 = arith.constant 200 : i32
      %lt3A_98 = arith.cmpi slt, %add3A_96, %lt3A_97 : i32
      %convert_element_type3A_99 = arith.extui %lt3A_98 : i1 to i32
      %cond3A_100 = arith.constant 0 : i32
      %cond3A_101 = arith.cmpi ne, %convert_element_type3A_99, %cond3A_100 : i32
      scf.if %cond3A_101 {
        %add3A_172 = arith.constant 4 : i32
        %add3A_173 = arith.addi %add3A_80, %add3A_172 : i32
        %dma_start3A_174 = arith.constant 0 : i32
        %dma_start3A_175 = tpu.memref_slice %arg5[%add3A_173, %dma_start3A_174] : memref<200x128xi32, #tpu.memory_space<vmem>> -> memref<1x128xi32, #tpu.memory_space<vmem>>
        %dma_start3A_176 = tpu.memref_squeeze %dma_start3A_175 : memref<1x128xi32, #tpu.memory_space<vmem>> -> memref<128xi32, #tpu.memory_space<vmem>>
        %dma_start3A_177 = arith.constant 0 : i32
        %dma_start3A_178 = arith.constant 0 : i32
        %dma_start3A_179 = tpu.memref_slice %arg3[%dma_start3A_177, %dma_start3A_178] : memref<1000000x128xf32, #tpu.memory_space<hbm>> -> memref<1000000x128xf32, #tpu.memory_space<hbm>>
        tpu.enqueue_indirect_dma source(%dma_start3A_179 : memref<1000000x128xf32, #tpu.memory_space<hbm>>) target(%arg7 : memref<128x128xf32, #tpu.memory_space<vmem>>) offsets(%dma_start3A_176 : memref<128xi32, #tpu.memory_space<vmem>>) semaphore(%arg13 : memref<!tpu.dma_semaphore, #tpu.memory_space<semaphore_mem>>)
      } else {
      }
      %dma_start3A_102 = arith.constant 0 : i32
      %dma_start3A_103 = arith.constant 0 : i32
      %dma_start3A_104 = tpu.memref_slice %arg4[%add3A, %add3A_80, %dma_start3A_102, %dma_start3A_103] : memref<32x200x128x64xf32, #tpu.memory_space<hbm>> -> memref<1x1x128x64xf32, #tpu.memory_space<hbm>>
      %dma_start3A_105 = tpu.memref_squeeze %dma_start3A_104 : memref<1x1x128x64xf32, #tpu.memory_space<hbm>> -> memref<128x64xf32, #tpu.memory_space<hbm>>
      %dma_start3A_106 = arith.constant 0 : i32
      %dma_start3A_107 = arith.constant 0 : i32
      %dma_start3A_108 = tpu.memref_slice %arg4[%add3A, %add3A_80, %dma_start3A_106, %dma_start3A_107] : memref<32x200x128x64xf32, #tpu.memory_space<hbm>> -> memref<1x1x128x64xf32, #tpu.memory_space<hbm>>
      %dma_start3A_109 = tpu.memref_squeeze %dma_start3A_108 : memref<1x1x128x64xf32, #tpu.memory_space<hbm>> -> memref<128x64xf32, #tpu.memory_space<hbm>>
      tpu.enqueue_dma source(%arg11 : memref<128x64xf32, #tpu.memory_space<vmem>>) target(%dma_start3A_109 : memref<128x64xf32, #tpu.memory_space<hbm>>) target_semaphore(%arg17 : memref<!tpu.dma_semaphore, #tpu.memory_space<semaphore_mem>>)
      %add3A_110 = arith.constant 2 : i32
      %add3A_111 = arith.addi %mul3A_52, %add3A_110 : i32
      %dma_wait3A_112 = arith.constant 0 : i32
      %dma_wait3A_113 = tpu.memref_slice %arg5[%add3A_111, %dma_wait3A_112] : memref<200x128xi32, #tpu.memory_space<vmem>> -> memref<1x128xi32, #tpu.memory_space<vmem>>
      %dma_wait3A_114 = tpu.memref_squeeze %dma_wait3A_113 : memref<1x128xi32, #tpu.memory_space<vmem>> -> memref<128xi32, #tpu.memory_space<vmem>>
      %dma_wait3A_115 = arith.constant 0 : i32
      %dma_wait3A_116 = arith.constant 0 : i32
      %dma_wait3A_117 = tpu.memref_slice %arg3[%dma_wait3A_115, %dma_wait3A_116] : memref<1000000x128xf32, #tpu.memory_space<hbm>> -> memref<1000000x128xf32, #tpu.memory_space<hbm>>
      tpu.wait_indirect_dma semaphore(%arg14 : memref<!tpu.dma_semaphore, #tpu.memory_space<semaphore_mem>>) src(%dma_wait3A_117 : memref<1000000x128xf32, #tpu.memory_space<hbm>>) dst(%arg8 : memref<128x128xf32, #tpu.memory_space<vmem>>)
      %ge3A_118 = arith.constant 2 : i32
      %ge3A_119 = arith.cmpi sge, %add3A_111, %ge3A_118 : i32
      %convert_element_type3A_120 = arith.extui %ge3A_119 : i1 to i32
      %cond3A_121 = arith.constant 0 : i32
      %cond3A_122 = arith.cmpi ne, %convert_element_type3A_120, %cond3A_121 : i32
      scf.if %cond3A_122 {
        %sub3A = arith.constant 2 : i32
        %sub3A_172 = arith.subi %add3A_111, %sub3A : i32
        %dma_wait3A_173 = arith.constant 0 : i32
        %dma_wait3A_174 = arith.constant 0 : i32
        %dma_wait3A_175 = tpu.memref_slice %arg4[%add3A, %sub3A_172, %dma_wait3A_173, %dma_wait3A_174] : memref<32x200x128x64xf32, #tpu.memory_space<hbm>> -> memref<1x1x128x64xf32, #tpu.memory_space<hbm>>
        %dma_wait3A_176 = tpu.memref_squeeze %dma_wait3A_175 : memref<1x1x128x64xf32, #tpu.memory_space<hbm>> -> memref<128x64xf32, #tpu.memory_space<hbm>>
        %dma_wait3A_177 = arith.constant 0 : i32
        %dma_wait3A_178 = arith.constant 0 : i32
        %dma_wait3A_179 = tpu.memref_slice %arg4[%add3A, %sub3A_172, %dma_wait3A_177, %dma_wait3A_178] : memref<32x200x128x64xf32, #tpu.memory_space<hbm>> -> memref<1x1x128x64xf32, #tpu.memory_space<hbm>>
        %dma_wait3A_180 = tpu.memref_squeeze %dma_wait3A_179 : memref<1x1x128x64xf32, #tpu.memory_space<hbm>> -> memref<128x64xf32, #tpu.memory_space<hbm>>
        tpu.wait_dma2 semaphore(%arg16 : memref<!tpu.dma_semaphore, #tpu.memory_space<semaphore_mem>>) src(%arg10 : memref<128x64xf32, #tpu.memory_space<vmem>>) dst(%dma_wait3A_180 : memref<128x64xf32, #tpu.memory_space<hbm>>)
      } else {
      }
      %parallel_loop3A_123 = arith.constant 0 : i32
      %parallel_loop3A_124 = arith.constant 128 : i32
      %parallel_loop3A_125 = arith.constant 1 : i32
      scf.for %parallel_loop3A_172 = %parallel_loop3A_123 to %parallel_loop3A_124 step %parallel_loop3A_125  : i32 {
        %parallel_loop3A_173 = arith.index_cast %parallel_loop3A_172 : i32 to index
        %parallel_loop3A_174 = arith.constant 0 : index
        %parallel_loop3A_175 = tpu.vector_load %arg8[%parallel_loop3A_173, %parallel_loop3A_174] {strides = array<i32>} : memref<128x128xf32, #tpu.memory_space<vmem>>, vector<16xf32>,
        %parallel_loop3A_176 = arith.constant 8.000000e+00 : f32
        %parallel_loop3A_177 = vector.broadcast %parallel_loop3A_176 : f32 to vector<16xf32>
        %parallel_loop3A_178 = arith.mulf %parallel_loop3A_175, %parallel_loop3A_177 : vector<16xf32>
        %parallel_loop3A_179 = arith.index_cast %parallel_loop3A_172 : i32 to index
        %parallel_loop3A_180 = arith.constant 0 : index
        %parallel_loop3A_181 = tpu.vector_load %arg10[%parallel_loop3A_179, %parallel_loop3A_180] {strides = array<i32>} : memref<128x64xf32, #tpu.memory_space<vmem>>, vector<16xf32>,
        tpu.vector_store %arg10[%parallel_loop3A_179, %parallel_loop3A_180], %parallel_loop3A_178 {strides = array<i32>} : memref<128x64xf32, #tpu.memory_space<vmem>>, vector<16xf32>,
        %parallel_loop3A_182 = arith.index_cast %parallel_loop3A_172 : i32 to index
        %parallel_loop3A_183 = arith.constant 16 : index
        %parallel_loop3A_184 = tpu.vector_load %arg8[%parallel_loop3A_182, %parallel_loop3A_183] {strides = array<i32>} : memref<128x128xf32, #tpu.memory_space<vmem>>, vector<16xf32>,
        %parallel_loop3A_185 = arith.constant 8.000000e+00 : f32
        %parallel_loop3A_186 = vector.broadcast %parallel_loop3A_185 : f32 to vector<16xf32>
        %parallel_loop3A_187 = arith.mulf %parallel_loop3A_184, %parallel_loop3A_186 : vector<16xf32>
        %parallel_loop3A_188 = arith.index_cast %parallel_loop3A_172 : i32 to index
        %parallel_loop3A_189 = arith.constant 16 : index
        %parallel_loop3A_190 = tpu.vector_load %arg10[%parallel_loop3A_188, %parallel_loop3A_189] {strides = array<i32>} : memref<128x64xf32, #tpu.memory_space<vmem>>, vector<16xf32>,
        tpu.vector_store %arg10[%parallel_loop3A_188, %parallel_loop3A_189], %parallel_loop3A_187 {strides = array<i32>} : memref<128x64xf32, #tpu.memory_space<vmem>>, vector<16xf32>,
        %parallel_loop3A_191 = arith.index_cast %parallel_loop3A_172 : i32 to index
        %parallel_loop3A_192 = arith.constant 32 : index
        %parallel_loop3A_193 = tpu.vector_load %arg8[%parallel_loop3A_191, %parallel_loop3A_192] {strides = array<i32>} : memref<128x128xf32, #tpu.memory_space<vmem>>, vector<16xf32>,
        %parallel_loop3A_194 = arith.constant 8.000000e+00 : f32
        %parallel_loop3A_195 = vector.broadcast %parallel_loop3A_194 : f32 to vector<16xf32>
        %parallel_loop3A_196 = arith.mulf %parallel_loop3A_193, %parallel_loop3A_195 : vector<16xf32>
        %parallel_loop3A_197 = arith.index_cast %parallel_loop3A_172 : i32 to index
        %parallel_loop3A_198 = arith.constant 32 : index
        %parallel_loop3A_199 = tpu.vector_load %arg10[%parallel_loop3A_197, %parallel_loop3A_198] {strides = array<i32>} : memref<128x64xf32, #tpu.memory_space<vmem>>, vector<16xf32>,
        tpu.vector_store %arg10[%parallel_loop3A_197, %parallel_loop3A_198], %parallel_loop3A_196 {strides = array<i32>} : memref<128x64xf32, #tpu.memory_space<vmem>>, vector<16xf32>,
        %parallel_loop3A_200 = arith.index_cast %parallel_loop3A_172 : i32 to index
        %parallel_loop3A_201 = arith.constant 48 : index
        %parallel_loop3A_202 = tpu.vector_load %arg8[%parallel_loop3A_200, %parallel_loop3A_201] {strides = array<i32>} : memref<128x128xf32, #tpu.memory_space<vmem>>, vector<16xf32>,
        %parallel_loop3A_203 = arith.constant 8.000000e+00 : f32
        %parallel_loop3A_204 = vector.broadcast %parallel_loop3A_203 : f32 to vector<16xf32>
        %parallel_loop3A_205 = arith.mulf %parallel_loop3A_202, %parallel_loop3A_204 : vector<16xf32>
        %parallel_loop3A_206 = arith.index_cast %parallel_loop3A_172 : i32 to index
        %parallel_loop3A_207 = arith.constant 48 : index
        %parallel_loop3A_208 = tpu.vector_load %arg10[%parallel_loop3A_206, %parallel_loop3A_207] {strides = array<i32>} : memref<128x64xf32, #tpu.memory_space<vmem>>, vector<16xf32>,
        tpu.vector_store %arg10[%parallel_loop3A_206, %parallel_loop3A_207], %parallel_loop3A_205 {strides = array<i32>} : memref<128x64xf32, #tpu.memory_space<vmem>>, vector<16xf32>,
      } {sc.loop_unroll_factor = 8 : i64, sc.parallel_access}
      %add3A_126 = arith.constant 4 : i32
      %add3A_127 = arith.addi %add3A_111, %add3A_126 : i32
      %lt3A_128 = arith.constant 200 : i32
      %lt3A_129 = arith.cmpi slt, %add3A_127, %lt3A_128 : i32
      %convert_element_type3A_130 = arith.extui %lt3A_129 : i1 to i32
      %cond3A_131 = arith.constant 0 : i32
      %cond3A_132 = arith.cmpi ne, %convert_element_type3A_130, %cond3A_131 : i32
      scf.if %cond3A_132 {
        %add3A_172 = arith.constant 4 : i32
        %add3A_173 = arith.addi %add3A_111, %add3A_172 : i32
        %dma_start3A_174 = arith.constant 0 : i32
        %dma_start3A_175 = tpu.memref_slice %arg5[%add3A_173, %dma_start3A_174] : memref<200x128xi32, #tpu.memory_space<vmem>> -> memref<1x128xi32, #tpu.memory_space<vmem>>
        %dma_start3A_176 = tpu.memref_squeeze %dma_start3A_175 : memref<1x128xi32, #tpu.memory_space<vmem>> -> memref<128xi32, #tpu.memory_space<vmem>>
        %dma_start3A_177 = arith.constant 0 : i32
        %dma_start3A_178 = arith.constant 0 : i32
        %dma_start3A_179 = tpu.memref_slice %arg3[%dma_start3A_177, %dma_start3A_178] : memref<1000000x128xf32, #tpu.memory_space<hbm>> -> memref<1000000x128xf32, #tpu.memory_space<hbm>>
        tpu.enqueue_indirect_dma source(%dma_start3A_179 : memref<1000000x128xf32, #tpu.memory_space<hbm>>) target(%arg8 : memref<128x128xf32, #tpu.memory_space<vmem>>) offsets(%dma_start3A_176 : memref<128xi32, #tpu.memory_space<vmem>>) semaphore(%arg14 : memref<!tpu.dma_semaphore, #tpu.memory_space<semaphore_mem>>)
      } else {
      }
      %dma_start3A_133 = arith.constant 0 : i32
      %dma_start3A_134 = arith.constant 0 : i32
      %dma_start3A_135 = tpu.memref_slice %arg4[%add3A, %add3A_111, %dma_start3A_133, %dma_start3A_134] : memref<32x200x128x64xf32, #tpu.memory_space<hbm>> -> memref<1x1x128x64xf32, #tpu.memory_space<hbm>>
      %dma_start3A_136 = tpu.memref_squeeze %dma_start3A_135 : memref<1x1x128x64xf32, #tpu.memory_space<hbm>> -> memref<128x64xf32, #tpu.memory_space<hbm>>
      %dma_start3A_137 = arith.constant 0 : i32
      %dma_start3A_138 = arith.constant 0 : i32
      %dma_start3A_139 = tpu.memref_slice %arg4[%add3A, %add3A_111, %dma_start3A_137, %dma_start3A_138] : memref<32x200x128x64xf32, #tpu.memory_space<hbm>> -> memref<1x1x128x64xf32, #tpu.memory_space<hbm>>
      %dma_start3A_140 = tpu.memref_squeeze %dma_start3A_139 : memref<1x1x128x64xf32, #tpu.memory_space<hbm>> -> memref<128x64xf32, #tpu.memory_space<hbm>>
      tpu.enqueue_dma source(%arg10 : memref<128x64xf32, #tpu.memory_space<vmem>>) target(%dma_start3A_140 : memref<128x64xf32, #tpu.memory_space<hbm>>) target_semaphore(%arg16 : memref<!tpu.dma_semaphore, #tpu.memory_space<semaphore_mem>>)
      %add3A_141 = arith.constant 3 : i32
      %add3A_142 = arith.addi %mul3A_52, %add3A_141 : i32
      %dma_wait3A_143 = arith.constant 0 : i32
      %dma_wait3A_144 = tpu.memref_slice %arg5[%add3A_142, %dma_wait3A_143] : memref<200x128xi32, #tpu.memory_space<vmem>> -> memref<1x128xi32, #tpu.memory_space<vmem>>
      %dma_wait3A_145 = tpu.memref_squeeze %dma_wait3A_144 : memref<1x128xi32, #tpu.memory_space<vmem>> -> memref<128xi32, #tpu.memory_space<vmem>>
      %dma_wait3A_146 = arith.constant 0 : i32
      %dma_wait3A_147 = arith.constant 0 : i32
      %dma_wait3A_148 = tpu.memref_slice %arg3[%dma_wait3A_146, %dma_wait3A_147] : memref<1000000x128xf32, #tpu.memory_space<hbm>> -> memref<1000000x128xf32, #tpu.memory_space<hbm>>
      tpu.wait_indirect_dma semaphore(%arg15 : memref<!tpu.dma_semaphore, #tpu.memory_space<semaphore_mem>>) src(%dma_wait3A_148 : memref<1000000x128xf32, #tpu.memory_space<hbm>>) dst(%arg9 : memref<128x128xf32, #tpu.memory_space<vmem>>)
      %ge3A_149 = arith.constant 2 : i32
      %ge3A_150 = arith.cmpi sge, %add3A_142, %ge3A_149 : i32
      %convert_element_type3A_151 = arith.extui %ge3A_150 : i1 to i32
      %cond3A_152 = arith.constant 0 : i32
      %cond3A_153 = arith.cmpi ne, %convert_element_type3A_151, %cond3A_152 : i32
      scf.if %cond3A_153 {
        %sub3A = arith.constant 2 : i32
        %sub3A_172 = arith.subi %add3A_142, %sub3A : i32
        %dma_wait3A_173 = arith.constant 0 : i32
        %dma_wait3A_174 = arith.constant 0 : i32
        %dma_wait3A_175 = tpu.memref_slice %arg4[%add3A, %sub3A_172, %dma_wait3A_173, %dma_wait3A_174] : memref<32x200x128x64xf32, #tpu.memory_space<hbm>> -> memref<1x1x128x64xf32, #tpu.memory_space<hbm>>
        %dma_wait3A_176 = tpu.memref_squeeze %dma_wait3A_175 : memref<1x1x128x64xf32, #tpu.memory_space<hbm>> -> memref<128x64xf32, #tpu.memory_space<hbm>>
        %dma_wait3A_177 = arith.constant 0 : i32
        %dma_wait3A_178 = arith.constant 0 : i32
        %dma_wait3A_179 = tpu.memref_slice %arg4[%add3A, %sub3A_172, %dma_wait3A_177, %dma_wait3A_178] : memref<32x200x128x64xf32, #tpu.memory_space<hbm>> -> memref<1x1x128x64xf32, #tpu.memory_space<hbm>>
        %dma_wait3A_180 = tpu.memref_squeeze %dma_wait3A_179 : memref<1x1x128x64xf32, #tpu.memory_space<hbm>> -> memref<128x64xf32, #tpu.memory_space<hbm>>
        tpu.wait_dma2 semaphore(%arg17 : memref<!tpu.dma_semaphore, #tpu.memory_space<semaphore_mem>>) src(%arg11 : memref<128x64xf32, #tpu.memory_space<vmem>>) dst(%dma_wait3A_180 : memref<128x64xf32, #tpu.memory_space<hbm>>)
      } else {
      }
      %parallel_loop3A_154 = arith.constant 0 : i32
      %parallel_loop3A_155 = arith.constant 128 : i32
      %parallel_loop3A_156 = arith.constant 1 : i32
      scf.for %parallel_loop3A_172 = %parallel_loop3A_154 to %parallel_loop3A_155 step %parallel_loop3A_156  : i32 {
        %parallel_loop3A_173 = arith.index_cast %parallel_loop3A_172 : i32 to index
        %parallel_loop3A_174 = arith.constant 0 : index
        %parallel_loop3A_175 = tpu.vector_load %arg9[%parallel_loop3A_173, %parallel_loop3A_174] {strides = array<i32>} : memref<128x128xf32, #tpu.memory_space<vmem>>, vector<16xf32>,
        %parallel_loop3A_176 = arith.constant 8.000000e+00 : f32
        %parallel_loop3A_177 = vector.broadcast %parallel_loop3A_176 : f32 to vector<16xf32>
        %parallel_loop3A_178 = arith.mulf %parallel_loop3A_175, %parallel_loop3A_177 : vector<16xf32>
        %parallel_loop3A_179 = arith.index_cast %parallel_loop3A_172 : i32 to index
        %parallel_loop3A_180 = arith.constant 0 : index
        %parallel_loop3A_181 = tpu.vector_load %arg11[%parallel_loop3A_179, %parallel_loop3A_180] {strides = array<i32>} : memref<128x64xf32, #tpu.memory_space<vmem>>, vector<16xf32>,
        tpu.vector_store %arg11[%parallel_loop3A_179, %parallel_loop3A_180], %parallel_loop3A_178 {strides = array<i32>} : memref<128x64xf32, #tpu.memory_space<vmem>>, vector<16xf32>,
        %parallel_loop3A_182 = arith.index_cast %parallel_loop3A_172 : i32 to index
        %parallel_loop3A_183 = arith.constant 16 : index
        %parallel_loop3A_184 = tpu.vector_load %arg9[%parallel_loop3A_182, %parallel_loop3A_183] {strides = array<i32>} : memref<128x128xf32, #tpu.memory_space<vmem>>, vector<16xf32>,
        %parallel_loop3A_185 = arith.constant 8.000000e+00 : f32
        %parallel_loop3A_186 = vector.broadcast %parallel_loop3A_185 : f32 to vector<16xf32>
        %parallel_loop3A_187 = arith.mulf %parallel_loop3A_184, %parallel_loop3A_186 : vector<16xf32>
        %parallel_loop3A_188 = arith.index_cast %parallel_loop3A_172 : i32 to index
        %parallel_loop3A_189 = arith.constant 16 : index
        %parallel_loop3A_190 = tpu.vector_load %arg11[%parallel_loop3A_188, %parallel_loop3A_189] {strides = array<i32>} : memref<128x64xf32, #tpu.memory_space<vmem>>, vector<16xf32>,
        tpu.vector_store %arg11[%parallel_loop3A_188, %parallel_loop3A_189], %parallel_loop3A_187 {strides = array<i32>} : memref<128x64xf32, #tpu.memory_space<vmem>>, vector<16xf32>,
        %parallel_loop3A_191 = arith.index_cast %parallel_loop3A_172 : i32 to index
        %parallel_loop3A_192 = arith.constant 32 : index
        %parallel_loop3A_193 = tpu.vector_load %arg9[%parallel_loop3A_191, %parallel_loop3A_192] {strides = array<i32>} : memref<128x128xf32, #tpu.memory_space<vmem>>, vector<16xf32>,
        %parallel_loop3A_194 = arith.constant 8.000000e+00 : f32
        %parallel_loop3A_195 = vector.broadcast %parallel_loop3A_194 : f32 to vector<16xf32>
        %parallel_loop3A_196 = arith.mulf %parallel_loop3A_193, %parallel_loop3A_195 : vector<16xf32>
        %parallel_loop3A_197 = arith.index_cast %parallel_loop3A_172 : i32 to index
        %parallel_loop3A_198 = arith.constant 32 : index
        %parallel_loop3A_199 = tpu.vector_load %arg11[%parallel_loop3A_197, %parallel_loop3A_198] {strides = array<i32>} : memref<128x64xf32, #tpu.memory_space<vmem>>, vector<16xf32>,
        tpu.vector_store %arg11[%parallel_loop3A_197, %parallel_loop3A_198], %parallel_loop3A_196 {strides = array<i32>} : memref<128x64xf32, #tpu.memory_space<vmem>>, vector<16xf32>,
        %parallel_loop3A_200 = arith.index_cast %parallel_loop3A_172 : i32 to index
        %parallel_loop3A_201 = arith.constant 48 : index
        %parallel_loop3A_202 = tpu.vector_load %arg9[%parallel_loop3A_200, %parallel_loop3A_201] {strides = array<i32>} : memref<128x128xf32, #tpu.memory_space<vmem>>, vector<16xf32>,
        %parallel_loop3A_203 = arith.constant 8.000000e+00 : f32
        %parallel_loop3A_204 = vector.broadcast %parallel_loop3A_203 : f32 to vector<16xf32>
        %parallel_loop3A_205 = arith.mulf %parallel_loop3A_202, %parallel_loop3A_204 : vector<16xf32>
        %parallel_loop3A_206 = arith.index_cast %parallel_loop3A_172 : i32 to index
        %parallel_loop3A_207 = arith.constant 48 : index
        %parallel_loop3A_208 = tpu.vector_load %arg11[%parallel_loop3A_206, %parallel_loop3A_207] {strides = array<i32>} : memref<128x64xf32, #tpu.memory_space<vmem>>, vector<16xf32>,
        tpu.vector_store %arg11[%parallel_loop3A_206, %parallel_loop3A_207], %parallel_loop3A_205 {strides = array<i32>} : memref<128x64xf32, #tpu.memory_space<vmem>>, vector<16xf32>,
      } {sc.loop_unroll_factor = 8 : i64, sc.parallel_access}
      %add3A_157 = arith.constant 4 : i32
      %add3A_158 = arith.addi %add3A_142, %add3A_157 : i32
      %lt3A_159 = arith.constant 200 : i32
      %lt3A_160 = arith.cmpi slt, %add3A_158, %lt3A_159 : i32
      %convert_element_type3A_161 = arith.extui %lt3A_160 : i1 to i32
      %cond3A_162 = arith.constant 0 : i32
      %cond3A_163 = arith.cmpi ne, %convert_element_type3A_161, %cond3A_162 : i32
      scf.if %cond3A_163 {
        %add3A_172 = arith.constant 4 : i32
        %add3A_173 = arith.addi %add3A_142, %add3A_172 : i32
        %dma_start3A_174 = arith.constant 0 : i32
        %dma_start3A_175 = tpu.memref_slice %arg5[%add3A_173, %dma_start3A_174] : memref<200x128xi32, #tpu.memory_space<vmem>> -> memref<1x128xi32, #tpu.memory_space<vmem>>
        %dma_start3A_176 = tpu.memref_squeeze %dma_start3A_175 : memref<1x128xi32, #tpu.memory_space<vmem>> -> memref<128xi32, #tpu.memory_space<vmem>>
        %dma_start3A_177 = arith.constant 0 : i32
        %dma_start3A_178 = arith.constant 0 : i32
        %dma_start3A_179 = tpu.memref_slice %arg3[%dma_start3A_177, %dma_start3A_178] : memref<1000000x128xf32, #tpu.memory_space<hbm>> -> memref<1000000x128xf32, #tpu.memory_space<hbm>>
        tpu.enqueue_indirect_dma source(%dma_start3A_179 : memref<1000000x128xf32, #tpu.memory_space<hbm>>) target(%arg9 : memref<128x128xf32, #tpu.memory_space<vmem>>) offsets(%dma_start3A_176 : memref<128xi32, #tpu.memory_space<vmem>>) semaphore(%arg15 : memref<!tpu.dma_semaphore, #tpu.memory_space<semaphore_mem>>)
      } else {
      }
      %dma_start3A_164 = arith.constant 0 : i32
      %dma_start3A_165 = arith.constant 0 : i32
      %dma_start3A_166 = tpu.memref_slice %arg4[%add3A, %add3A_142, %dma_start3A_164, %dma_start3A_165] : memref<32x200x128x64xf32, #tpu.memory_space<hbm>> -> memref<1x1x128x64xf32, #tpu.memory_space<hbm>>
      %dma_start3A_167 = tpu.memref_squeeze %dma_start3A_166 : memref<1x1x128x64xf32, #tpu.memory_space<hbm>> -> memref<128x64xf32, #tpu.memory_space<hbm>>
      %dma_start3A_168 = arith.constant 0 : i32
      %dma_start3A_169 = arith.constant 0 : i32
      %dma_start3A_170 = tpu.memref_slice %arg4[%add3A, %add3A_142, %dma_start3A_168, %dma_start3A_169] : memref<32x200x128x64xf32, #tpu.memory_space<hbm>> -> memref<1x1x128x64xf32, #tpu.memory_space<hbm>>
      %dma_start3A_171 = tpu.memref_squeeze %dma_start3A_170 : memref<1x1x128x64xf32, #tpu.memory_space<hbm>> -> memref<128x64xf32, #tpu.memory_space<hbm>>
      tpu.enqueue_dma source(%arg11 : memref<128x64xf32, #tpu.memory_space<vmem>>) target(%dma_start3A_171 : memref<128x64xf32, #tpu.memory_space<hbm>>) target_semaphore(%arg17 : memref<!tpu.dma_semaphore, #tpu.memory_space<semaphore_mem>>)
    }
    %scan3A_32 = arith.constant 50 : i32
    %dma_wait3A = arith.constant 198 : i32
    %dma_wait3A_33 = arith.constant 0 : i32
    %dma_wait3A_34 = arith.constant 0 : i32
    %dma_wait3A_35 = tpu.memref_slice %arg4[%add3A, %dma_wait3A, %dma_wait3A_33, %dma_wait3A_34] : memref<32x200x128x64xf32, #tpu.memory_space<hbm>> -> memref<1x1x128x64xf32, #tpu.memory_space<hbm>>
    %dma_wait3A_36 = tpu.memref_squeeze %dma_wait3A_35 : memref<1x1x128x64xf32, #tpu.memory_space<hbm>> -> memref<128x64xf32, #tpu.memory_space<hbm>>
    %dma_wait3A_37 = arith.constant 0 : i32
    %dma_wait3A_38 = arith.constant 0 : i32
    %dma_wait3A_39 = tpu.memref_slice %arg4[%add3A, %dma_wait3A, %dma_wait3A_37, %dma_wait3A_38] : memref<32x200x128x64xf32, #tpu.memory_space<hbm>> -> memref<1x1x128x64xf32, #tpu.memory_space<hbm>>
    %dma_wait3A_40 = tpu.memref_squeeze %dma_wait3A_39 : memref<1x1x128x64xf32, #tpu.memory_space<hbm>> -> memref<128x64xf32, #tpu.memory_space<hbm>>
    tpu.wait_dma2 semaphore(%arg16 : memref<!tpu.dma_semaphore, #tpu.memory_space<semaphore_mem>>) src(%arg10 : memref<128x64xf32, #tpu.memory_space<vmem>>) dst(%dma_wait3A_40 : memref<128x64xf32, #tpu.memory_space<hbm>>)
    %dma_wait3A_41 = arith.constant 199 : i32
    %dma_wait3A_42 = arith.constant 0 : i32
    %dma_wait3A_43 = arith.constant 0 : i32
    %dma_wait3A_44 = tpu.memref_slice %arg4[%add3A, %dma_wait3A_41, %dma_wait3A_42, %dma_wait3A_43] : memref<32x200x128x64xf32, #tpu.memory_space<hbm>> -> memref<1x1x128x64xf32, #tpu.memory_space<hbm>>
    %dma_wait3A_45 = tpu.memref_squeeze %dma_wait3A_44 : memref<1x1x128x64xf32, #tpu.memory_space<hbm>> -> memref<128x64xf32, #tpu.memory_space<hbm>>
    %dma_wait3A_46 = arith.constant 0 : i32
    %dma_wait3A_47 = arith.constant 0 : i32
    %dma_wait3A_48 = tpu.memref_slice %arg4[%add3A, %dma_wait3A_41, %dma_wait3A_46, %dma_wait3A_47] : memref<32x200x128x64xf32, #tpu.memory_space<hbm>> -> memref<1x1x128x64xf32, #tpu.memory_space<hbm>>
    %dma_wait3A_49 = tpu.memref_squeeze %dma_wait3A_48 : memref<1x1x128x64xf32, #tpu.memory_space<hbm>> -> memref<128x64xf32, #tpu.memory_space<hbm>>
    tpu.wait_dma2 semaphore(%arg17 : memref<!tpu.dma_semaphore, #tpu.memory_space<semaphore_mem>>) src(%arg11 : memref<128x64xf32, #tpu.memory_space<vmem>>) dst(%dma_wait3A_49 : memref<128x64xf32, #tpu.memory_space<hbm>>)
    return
  }
}

</mosaic_0001>

<sc_bundles>
// kernel: kernel.3.cloned.1.call-start
scs
__scs_entry_jumppad:
0x0: {  	(pc) =	sbr.rel $0x88, $3  }
0x1: {  	(tag) =	ssettag $0x0;
	lr =	simm.s32 $0x1  }
0x2: {  	[smem:$0x3F9F] =	sst lr;
	_ =	strace $0xD0000000  }
0x3: {  	_ = 	snop  }
0x4: {  	_ = 	snop  }
0x5: {  	_ = 	snop  }
0x6: {  	_ = 	snop  }
0x7: {  	_ = 	snop  }
__scs_overlays_trampoline_lowered:
0x8: {  	[smem:$0x3FAE] =	sst s0  }
0x9: {  	[smem:$0x3FAF] =	sst s1  }
0xa: {  	[smem:$0x3FB0] =	sst s2  }
0xb: {  	[smem:$0x3FB1] =	sst s3  }
0xc: {  	[smem:$0x3FB2] =	sst s4  }
0xd: {  	[smem:$0x3FB3] =	sst s5  }
0xe: {  	[smem:$0x3FB4] =	sst s6  }
0xf: {  	[smem:$0x3FB5] =	sst s7  }
0x10: {  	[smem:$0x3FB6] =	sst s8  }
0x11: {  	[smem:$0x3FB7] =	sst s9;
	s0 =	simm.s32 @!p0 $0x0  }
0x12: {  	s1 =	sld [smem:$0x3F9D];
	s0 =	simm.s32 @p0 $0x1  }
0x13: {  	[smem:$0x3FB8] =	sst s0;
	s0 =	simm.s32 @!p1 $0x0  }
0x14: {  	s2 =	sld [smem:$0x3F9C];
	s0 =	simm.s32 @p1 $0x1  }
0x15: {  	[smem:$0x3FB9] =	sst s0;
	s0 =	simm.s32 @!p2 $0x0  }
0x16: {  	s3 =	sld [smem:$0x3FDB];
	s0 =	simm.s32 @p2 $0x1  }
0x17: {  	s4 =	simm.s32 $0x1BF5;
	[smem:$0x3FBB] =	sst s0  }
0x18: {  	s0 =	sld [smem:$0x3F9E];
	_ =	swait.ge [sflag:s4], $0x0  }
0x19: {  	s7 =	sld [smem:$0x3F9F]  }
0x1a: {  	s8 =	sadd.s32 $0xFFFFE003, lr  }
0x1b: {  	s9 =	sadd.s32 $0xFFFFFEF7, lr;
	s5 =	simm.s32 $0xFFFFFFFF;
	p2 =	slt.u32 s8, $0xFFFFF086  }
0x1c: {  	p1 =	slt.u32 s9, $0xF7A;
	s5 =	simm.s32 @!p2 $0x0  }
0x1d: {  	s5 =	simm.s32 @p1 $0x1;
	p0 =	seq.s32 s7, s2  }
0x1e: {  	s7 =	smul.u32 @!p0 $0xF7A, s2;
	p2 =	seq.s32 @!p0 s5, $0x0  }
0x1f: {  	s9 =	smul.u32 $0xF7A, s1;
	s8 =	simm.s32 @!p0 $0x1BF5;
	p2 =	por !p2, p0  }
0x20: {  	[sflag:s8] =	ssyncset.s32 @!p0 $0xFFFFF086;
	s6 =	sadd.s32 @!p0 s3, s7;
	s7 =	simm.s32 @!p0 $0x108  }
0x21: {  	s3 =	sadd.s32 s3, s9;
	s6 =	sadd.s32 @!p0 $0x88, s6;
	s7 =	simm.s32 @p2 $0x1082  }
0x22: {  	[simem:s7], [sflag:s8] =	dma.local @!p0 [hbm:s6], $0xF7A  }
0x23: {  	s9 =	sor.u32 $0xD0000000, s2;
	s6 =	simm.s32 $0x108;
	_ =	swait.ge @!p0 [sflag:s8], $0x0  }
0x24: {  	s3 =	sadd.s32 $0x88, s3;
	s6 =	simm.s32 @!p1 $0x1082;
	[sflag:s4] =	ssyncset.s32 $0xFFFFF086  }
0x25: {  	[simem:s6], [sflag:s4] =	dma.local [hbm:s3], $0xF7A  }
0x26: {  	[smem:$0x3F9F] =	sst s1;
	(tag) =	ssettag s2;
	_ =	strace s9  }
0x27: {  	s1 =	sld [smem:$0x3FAF]  }
0x28: {  	s2 =	sld [smem:$0x3FB0]  }
0x29: {  	s4 =	sld [smem:$0x3FB2]  }
0x2a: {  	p0 =	seq.s32 s5, $0x0;
	s5 =	sld [smem:$0x3FB3]  }
0x2b: {  	s6 =	sld [smem:$0x3FB4]  }
0x2c: {  	s7 =	sld [smem:$0x3FB5]  }
0x2d: {  	s3 =	simm.s32 $0x108;
	s8 =	sld [smem:$0x3FB6]  }
0x2e: {  	s3 =	simm.s32 @!p0 $0x1082;
	s9 =	sld [smem:$0x3FB7]  }
0x2f: {  	lr =	sadd.s32 s0, s3;
	s0 =	sld [smem:$0x3FAE]  }
0x30: {  	s3 =	sld [smem:$0x3FB1]  }
0x31: {  	[smem:$0x3FBA] =	sst s10  }
0x32: {  	s10 =	sld [smem:$0x3FB8];
	_ =	sdelay $0x3  }
0x33: {  	p0 =	seq.s32 s10, $0x1;
	s10 =	sld [smem:$0x3FBA];
	_ =	sdelay $0x3  }
0x34: {  	[smem:$0x3FBA] =	sst s10  }
0x35: {  	s10 =	sld [smem:$0x3FB9];
	_ =	sdelay $0x3  }
0x36: {  	p1 =	seq.s32 s10, $0x1;
	s10 =	sld [smem:$0x3FBA];
	_ =	sdelay $0x3  }
0x37: {  	[smem:$0x3FBA] =	sst s10  }
0x38: {  	s10 =	sld [smem:$0x3FBB]  }
0x39: {  	_ = 	snop;
	(pc) =	sbr.ind lr, $3  }
0x3a: {  	_ = 	snop  }
0x3b: {  	_ = 	snop  }
0x3c: {  	p2 =	seq.s32 s10, $0x1;
	s10 =	sld [smem:$0x3FBA]  }
0x3d: {  	_ =	shalt  }
0x3e: {  	_ =	shalt  }
0x3f: {  	_ =	shalt  }
0x40: {  	_ =	shalt  }
0x41: {  	_ =	shalt  }
0x42: {  	_ =	shalt  }
0x43: {  	_ =	shalt  }
0x44: {  	_ =	shalt  }
0x45: {  	_ =	shalt  }
0x46: {  	_ =	shalt  }
0x47: {  	_ =	shalt  }
0x48: {  	_ =	shalt  }
0x49: {  	_ =	shalt  }
0x4a: {  	_ =	shalt  }
0x4b: {  	_ =	shalt  }
0x4c: {  	_ =	shalt  }
0x4d: {  	_ =	shalt  }
0x4e: {  	_ =	shalt  }
0x4f: {  	_ =	shalt  }
0x50: {  	_ =	shalt  }
0x51: {  	_ =	shalt  }
0x52: {  	_ =	shalt  }
0x53: {  	_ =	shalt  }
0x54: {  	_ =	shalt  }
0x55: {  	_ =	shalt  }
0x56: {  	_ =	shalt  }
0x57: {  	_ =	shalt  }
0x58: {  	_ =	shalt  }
0x59: {  	_ =	shalt  }
0x5a: {  	_ =	shalt  }
0x5b: {  	_ =	shalt  }
0x5c: {  	_ =	shalt  }
0x5d: {  	_ =	shalt  }
0x5e: {  	_ =	shalt  }
0x5f: {  	_ =	shalt  }
0x60: {  	_ =	shalt  }
0x61: {  	_ =	shalt  }
0x62: {  	_ =	shalt  }
0x63: {  	_ =	shalt  }
0x64: {  	_ =	shalt  }
0x65: {  	_ =	shalt  }
0x66: {  	_ =	shalt  }
0x67: {  	_ =	shalt  }
0x68: {  	_ =	shalt  }
0x69: {  	_ =	shalt  }
0x6a: {  	_ =	shalt  }
0x6b: {  	_ =	shalt  }
0x6c: {  	_ =	shalt  }
0x6d: {  	_ =	shalt  }
0x6e: {  	_ =	shalt  }
0x6f: {  	_ =	shalt  }
0x70: {  	_ =	shalt  }
0x71: {  	_ =	shalt  }
0x72: {  	_ =	shalt  }
0x73: {  	_ =	shalt  }
0x74: {  	_ =	shalt  }
0x75: {  	_ =	shalt  }
0x76: {  	_ =	shalt  }
0x77: {  	_ =	shalt  }
0x78: {  	_ =	shalt  }
0x79: {  	_ =	shalt  }
0x7a: {  	_ =	shalt  }
0x7b: {  	_ =	shalt  }
0x7c: {  	_ =	shalt  }
0x7d: {  	_ =	shalt  }
0x7e: {  	_ =	shalt  }
0x7f: {  	_ =	shalt  }
0x80: {  	_ =	shalt  }
0x81: {  	_ =	shalt  }
0x82: {  	_ =	shalt  }
0x83: {  	_ =	shalt  }
0x84: {  	_ =	shalt  }
0x85: {  	_ =	shalt  }
0x86: {  	_ =	shalt  }
0x87: {  	_ =	shalt  }
.Lfunc_end0:
.L_simem_size_0:
called_computation.1_lowered:
.L_overlay_start_0:
0x88: {  	s2 =	sld [smem:$0x3FD9]  }
0x89: {  	s3 =	sld [smem:$0x3FFE];
	_ =	sdelay $0x1  }
0x8a: {  	s1 =	srdreg.scid  }
0x8b: {  	s0 =	sand.u32 $0x1, s1  }
0x8c: {  	s17 =	sshll.u32 s0, $0xA;
	s2 =	sadd.s32 s3, s2  }
0x8d: {  	s2 =	sadd.s32 s2, s17  }
0x8e: {  	[smem:$0x3FC6] =	sst s2  }
0x8f: {  	_ = 	snop  }
0x90: {  	s2 =	sld [smem:$0x3FD0];
	(tm) =	ssettm $0x1  }
0x91: {  	s18 =	sld [smem:$0x3FFB];
	_ =	sdelay $0x3  }
0x92: {  	_ =	strace s18  }
0x93: {  	s3 =	sld [smem:$0x3FFC];
	_ =	sdelay $0x3  }
0x94: {  	_ =	strace s3  }
0x95: {  	s3 =	sld [smem:$0x3FFD];
	_ =	sdelay $0x3  }
0x96: {  	_ =	strace s3  }
0x97: {  	_ =	strace $0x8FFFFFFF  }
0x98: {  	s19 =	sld [smem:$0x3FDB];
	_ =	sdelay $0x1  }
0x99: {  	s4 =	simm.s32 $_scs_section_size  }
0x9a: {  	s5 =	simm.s32 $_size__tile_overlayer_lowered;
	s6 =	simm.s32 $_tile_overlayer_lowered  }
0x9b: {  	s22 =	simm.s32 $0x1BFF;
	s21 =	sshll.u32 s6, $0x1;
	s3 =	sadd.s32 s4, s19  }
0x9c: {  	s7 =	simm.s32 $0x0;
	s20 =	sshll.u32 s5, $0x1;
	s5 =	sadd.s32 s21, s3  }
0x9d: {  	[timem:s7], [sflag:s22] =	dma.local [hbm:s5], s20  }
0x9e: {  	_ =	swait.ge [sflag:s22], s20  }
0x9f: {  	s4 =	ssub.s32 $0x0, s20;
	[sflag:s22] =	ssyncset.done $0x0  }
0xa0: {  	[sflag:s22] =	ssyncadd.s32 s4;
	_ =	sdelay $0x1  }
0xa1: {  	s23 =	simm.s32 $0x1B8B  }
0xa2: {  	_ =	swait.ge [sflag:s23], $0x1  }
0xa3: {  	[sflag:s23] =	ssyncset.done $0x0  }
0xa4: {  	s25 =	simm.s32 $0x1B8E;
	s24 =	sld [smem:$0x3FFE];
	[sflag:s23] =	ssyncadd.s32 $0xFFFFFFFF  }
0xa5: {  	s26 =	simm.s32 $execute0_lowered;
	[smem:$0x3FD2] =	sst s25  }
0xa6: {  	s5 =	sshll.u32 s26, $0x1;
	_ =	strace $0x80000046;
	[dreg:$0x1] =	wrdreg $0xFFFFFFFF  }
0xa7: {  	s28 =	simm.s32 $_size_execute0_lowered;
	s3 =	sadd.s32 s3, s5;
	[dreg:$0x0] =	wrdreg $0x0  }
0xa8: {  	s5 =	sshll.u32 s28, $0x1;
	[dreg:$0x2] =	wrdreg s3  }
0xa9: {  	[dreg:$0x3] =	wrdreg s5  }
0xaa: {  	[dreg:$0x4] =	wrdreg $0xC0  }
0xab: {  	_ =	task [dreg:s7], $0x5FFFF  }
0xac: {  	[dreg:$0x1] =	wrdreg $0xFFFFFFFF  }
0xad: {  	[dreg:$0x0] =	wrdreg $0x60  }
0xae: {  	[dreg:$0x2] =	wrdreg s2  }
0xaf: {  	[dreg:$0x3] =	wrdreg s24  }
0xb0: {  	[dreg:$0x4] =	wrdreg $0x9  }
0xb1: {  	_ =	task.clear_ibuf [dreg:s7], $0x5FFFF;
	_ =	strace $0x90000046  }
0xb2: {  	s29 =	simm.s32 $0x9;
	_ =	strace $0x80000048  }
0xb3: {  	_ =	swait.ge [sflag:s29], $0x1  }
0xb4: {  	[sflag:s29] =	ssyncadd.s32 $0xFFFFFFFF  }
0xb5: {  	_ =	strace $0x90000048  }
0xb6: {  	_ =	sfence  }
0xb7: {  	s30 =	sld [smem:$0x0];
	_ =	sdelay $0x2  }
0xb8: {  	s31 =	sshll.u32 s1, $0xD;
	s1 =	sshrl.u32 s1, $0x2  }
0xb9: {  	s3 =	sand.u32 $0x4000, s31;
	s1 =	sadd.s32 s1, s30  }
0xba: {  	s0 =	sor.u32 s3, s0;
	s1 =	sshll.u32 s1, $0x11  }
0xbb: {  	s0 =	sor.u32 s1, s0  }
0xbc: {  	s0 =	sadd.s32 $0x8F2B, s0  }
0xbd: {  	[sflag:s0] =	ssyncadd.remote.s32 $0x1  }
0xbe: {  	_ =	sfence.sel $0xFFFF  }
0xbf: {  	[dreg:$0x0] =	wrdreg $0xFFFFFFFF;
	(pc) =	sbr.abs _section_cstart, $3  }
0xc0: {  	[dreg:$0x1] =	wrdreg $0xFFFFFFFF  }
0xc1: {  	_ =	task.clear_ibuf [dreg:s7], $0x2FFFF;
	_ =	strace $0x9FFFFFFF  }
0xc2: {  	(tm) =	ssettm $0x7FFFFFFF  }
0xc3: {  	_ =	shalt  }
tec
execute0_lowered:
.L_overlay_start_1:
0x0: {  	(tag) =	ssettag $0x1  }
0x1: {  	s0 =	rddreg [dreg:$0x0]  }
0x2: {  	s1 =	rddreg [dreg:$0x1]  }
0x3: {  	s3 =	srdreg.scid;
	s4 =	stileid.u32;
	s2 =	simm.s32 $0x0  }
0x4: {  	s11 =	simm.s32 $0x7;
	s12 =	simm.s32 $0x80;
	s14 =	simm.s32 $0xA400  }
0x5: {  	s15 =	simm.s32 $0x100;
	s16 =	simm.s32 $0xE400;
	s17 =	simm.s32 $0x180  }
0x6: {  	s18 =	simm.s32 $0x12400;
	s19 =	simm.s32 $0x1;
	s20 =	simm.s32 $0x16400  }
0x7: {  	s21 =	simm.s32 $0x2;
	s22 =	simm.s32 $0x1A400;
	s23 =	simm.s32 $0x3  }
0x8: {  	s24 =	simm.s32 $0x5;
	s3 =	sand.u32 $0x1, s3;
	s4 =	sshll.u32 s4, $0x1  }
0x9: {  	s25 =	simm.s32 $0x4;
	s26 =	simm.s32 $0x6;
	s4 =	sor.u32 s3, s4  }
0xa: {  	s28 =	simm.s32 $0x0;
	[smem:$0x7FF] =	sst s2;
	s7 =	smul.u32 $0xC80, s4  }
0xb: {  	s5 =	sadd.s32 $0xA00, s1;
	s6 =	ssub.s32 $0x2, s3;
	s4 =	smul.u32 $0x320000, s4  }
0xc: {  	_ =	strace $0x80000047;
	s3 =	sadd.s32 $0xF42E00, s1;
	s8 =	sshrl.u32 s6, $0x1  }
0xd: {  	s31 =	ssub.s32 s6, s8;
	s6 =	sadd.s32 s0, s7;
	s7 =	sor.u32 $0x4000, s4  }
0xe: {  	s8 =	sor.u32 $0x8000, s4;
	s9 =	sor.u32 $0xC000, s4;
	s10 =	smax.u32 s31, $0x1  }
.LBB2_1:
0xf: {  	[tilespmem:s2], [sflag:$0x7] =	stream.linear.gather [hbm4b:s6+s2], $0x6400, $0x38;
	[tilespmem:$0x1E400] =	vst v63  }
0x10: {  	_ =	swait.ge [sflag:s11], $0x6400  }
0x11: {  	[sflag:s11] =	ssyncset.done $0x0  }
0x12: {  	s0 =	simm.s32 $0x6400;
	[sflag:s11] =	ssyncadd.s32 $0xFFFF9C00  }
0x13: {  	[tilespmem:s0], [sflag:$0x1] =	stream.indirect.gather [hbm4b:s3+s12], $0x80, s2, s12, $0xb8;
	[tilespmem:$0x1E400] =	vst v63  }
0x14: {  	_ = 	snop  }
0x15: {  	[tilespmem:s14], [sflag:$0x2] =	stream.indirect.gather [hbm4b:s3+s12], $0x80, s12, s12, $0xb8;
	[tilespmem:$0x1E400] =	vst v63  }
0x16: {  	_ = 	snop  }
0x17: {  	[tilespmem:s16], [sflag:$0x3] =	stream.indirect.gather [hbm4b:s3+s12], $0x80, s15, s12, $0xb8;
	[tilespmem:$0x1E400] =	vst v63  }
0x18: {  	s29 =	simm.s32 $0x0  }
0x19: {  	[tilespmem:s18], [sflag:$0x4] =	stream.indirect.gather [hbm4b:s3+s12], $0x80, s17, s12, $0xb8;
	[tilespmem:$0x1E400] =	vst v63  }
.LBB2_2:
0x1a: {  	_ =	swait.ge [sflag:s19], $0x4000  }
0x1b: {  	p1 =	seq.s32 s29, $0x0;
	[sflag:s19] =	ssyncset.done $0x0  }
0x1c: {  	s0 =	simm.s32 @!p1 $0x5;
	[sflag:s19] =	ssyncadd.s32 $0xFFFFC000  }
0x1d: {  	_ =	swait.ge @!p1 [sflag:s0], $0x4000  }
0x1e: {  	[sflag:s0] =	ssyncset.done @!p1 $0x0  }
0x1f: {  	s1 =	simm.s32 $0x6600;
	[sflag:s0] =	ssyncadd.s32 @!p1 $0xFFFFC000  }
0x20: {  	v0 =	vld [tilespmem:s1+$0x180]  }
0x21: {  	v1 =	vld [tilespmem:s1+$0xFFFFFE80]  }
0x22: {  	v2 =	vld [tilespmem:s1+$0xFFFFFF00]  }
0x23: {  	v3 =	vld [tilespmem:s1+$0xFFFFFF80]  }
0x24: {  	v4 =	vld [tilespmem:s1+$0x0]  }
0x25: {  	v5 =	vld [tilespmem:s1+$0x80];
	v0 =	vmul.f32 $8.000000000e+00, v0  }
0x26: {  	s31 =	simm.s32 $0x16600;
	v6 =	vld [tilespmem:s1+$0x100];
	v1 =	vmul.f32 $8.000000000e+00, v1  }
0x27: {  	v7 =	vld [tilespmem:s1+$0xFFFFFE00];
	v2 =	vmul.f32 $8.000000000e+00, v2;
	[tilespmem:s31+$0x180] =	vst v0  }
0x28: {  	[tilespmem:s31+$0xFFFFFE80] =	vst v1;
	v0 =	vmul.f32 $8.000000000e+00, v3;
	v1 =	vld [tilespmem:s1+$0x190]  }
0x29: {  	[tilespmem:s31+$0xFFFFFF00] =	vst v2;
	v2 =	vmul.f32 $8.000000000e+00, v4;
	v3 =	vld [tilespmem:s1+$0xFFFFFE90]  }
0x2a: {  	v4 =	vld [tilespmem:s1+$0xFFFFFF10];
	[tilespmem:s31+$0xFFFFFF80] =	vst v0;
	v0 =	vmul.f32 $8.000000000e+00, v5  }
0x2b: {  	[tilespmem:s31+$0x0] =	vst v2;
	v2 =	vmul.f32 $8.000000000e+00, v6;
	v5 =	vld [tilespmem:s1+$0xFFFFFF90]  }
0x2c: {  	v6 =	vmul.f32 $8.000000000e+00, v7;
	v7 =	vld [tilespmem:s1+$0x10];
	[tilespmem:s31+$0x80] =	vst v0  }
0x2d: {  	[tilespmem:s31+$0x100] =	vst v2;
	v0 =	vld [tilespmem:s1+$0x90];
	v1 =	vmul.f32 $8.000000000e+00, v1  }
0x2e: {  	[tilespmem:s31+$0xFFFFFE00] =	vst v6;
	v2 =	vmul.f32 $8.000000000e+00, v3;
	v3 =	vld [tilespmem:s1+$0x110]  }
0x2f: {  	v6 =	vld [tilespmem:s1+$0xFFFFFE10];
	v4 =	vmul.f32 $8.000000000e+00, v4;
	[tilespmem:s31+$0x190] =	vst v1  }
0x30: {  	[tilespmem:s31+$0xFFFFFE90] =	vst v2;
	v1 =	vmul.f32 $8.000000000e+00, v5;
	v2 =	vld [tilespmem:s1+$0x1A0]  }
0x31: {  	[tilespmem:s31+$0xFFFFFF10] =	vst v4;
	v4 =	vmul.f32 $8.000000000e+00, v7;
	v5 =	vld [tilespmem:s1+$0xFFFFFEA0]  }
0x32: {  	v7 =	vld [tilespmem:s1+$0xFFFFFF20];
	[tilespmem:s31+$0xFFFFFF90] =	vst v1;
	v0 =	vmul.f32 $8.000000000e+00, v0  }
0x33: {  	[tilespmem:s31+$0x10] =	vst v4;
	v1 =	vld [tilespmem:s1+$0xFFFFFFA0];
	v3 =	vmul.f32 $8.000000000e+00, v3  }
0x34: {  	v4 =	vmul.f32 $8.000000000e+00, v6;
	v6 =	vld [tilespmem:s1+$0x20];
	[tilespmem:s31+$0x90] =	vst v0  }
0x35: {  	v0 =	vld [tilespmem:s1+$0xA0];
	[tilespmem:s31+$0x110] =	vst v3;
	v2 =	vmul.f32 $8.000000000e+00, v2  }
0x36: {  	[tilespmem:s31+$0xFFFFFE10] =	vst v4;
	v3 =	vmul.f32 $8.000000000e+00, v5;
	v4 =	vld [tilespmem:s1+$0x120]  }
0x37: {  	v5 =	vld [tilespmem:s1+$0xFFFFFE20];
	v7 =	vmul.f32 $8.000000000e+00, v7;
	[tilespmem:s31+$0x1A0] =	vst v2  }
0x38: {  	[tilespmem:s31+$0xFFFFFEA0] =	vst v3;
	v1 =	vmul.f32 $8.000000000e+00, v1;
	v3 =	vld [tilespmem:s1+$0x1B0]  }
0x39: {  	[tilespmem:s31+$0xFFFFFF20] =	vst v7;
	v2 =	vmul.f32 $8.000000000e+00, v6;
	v8 =	vld [tilespmem:s1+$0xFFFFFEB0]  }
0x3a: {  	v7 =	vld [tilespmem:s1+$0xFFFFFF30];
	[tilespmem:s31+$0xFFFFFFA0] =	vst v1;
	v1 =	vmul.f32 $8.000000000e+00, v0  }
0x3b: {  	[tilespmem:s31+$0x20] =	vst v2;
	v0 =	vld [tilespmem:s1+$0xFFFFFFB0];
	v4 =	vmul.f32 $8.000000000e+00, v4  }
0x3c: {  	v5 =	vmul.f32 $8.000000000e+00, v5;
	v2 =	vld [tilespmem:s1+$0x30];
	[tilespmem:s31+$0xA0] =	vst v1  }
0x3d: {  	v1 =	vld [tilespmem:s1+$0xB0];
	[tilespmem:s31+$0x120] =	vst v4;
	v9 =	vmul.f32 $8.000000000e+00, v3  }
0x3e: {  	[tilespmem:s31+$0xFFFFFE20] =	vst v5;
	v3 =	vld [tilespmem:s1+$0x130];
	v6 =	vmul.f32 $8.000000000e+00, v8  }
0x3f: {  	s30 =	simm.s32 $0x0;
	s0 =	sshll.u32 s29, $0xB;
	v4 =	vld [tilespmem:s1+$0xFFFFFE30];
	v5 =	vmul.f32 $8.000000000e+00, v7;
	s1 =	simm.s32 $0x6A00;
	[tilespmem:s31+$0x1B0] =	vst v9  }
.LBB2_3:
0x40: {  	v7 =	vld [tilespmem:s1+$0x180];
	s30 =	sadd.s32 $0x8, s30;
	[tilespmem:s31+$0xFFFFFEB0] =	vst v6;
	v0 =	vmul.f32 $8.000000000e+00, v0  }
0x41: {  	v6 =	vld [tilespmem:s1+$0xFFFFFE80];
	p0 =	slt.u32 s30, $0x78;
	[tilespmem:s31+$0xFFFFFF30] =	vst v5;
	v2 =	vmul.f32 $8.000000000e+00, v2  }
0x42: {  	v5 =	vld [tilespmem:s1+$0xFFFFFF00];
	[tilespmem:s31+$0xFFFFFFB0] =	vst v0;
	v0 =	vmul.f32 $8.000000000e+00, v1  }
0x43: {  	v1 =	vld [tilespmem:s1+$0xFFFFFF80];
	[tilespmem:s31+$0x30] =	vst v2;
	v2 =	vmul.f32 $8.000000000e+00, v3  }
0x44: {  	v3 =	vld [tilespmem:s1+$0x0];
	v4 =	vmul.f32 $8.000000000e+00, v4;
	[tilespmem:s31+$0xB0] =	vst v0  }
0x45: {  	v0 =	vld [tilespmem:s1+$0x80];
	v7 =	vmul.f32 $8.000000000e+00, v7;
	[tilespmem:s31+$0x130] =	vst v2  }
0x46: {  	v2 =	vmul.f32 $8.000000000e+00, v6;
	v6 =	vld [tilespmem:s1+$0x100];
	[tilespmem:s31+$0xFFFFFE30] =	vst v4;
	s31 =	sadd.s32 $0x400, s31  }
0x47: {  	v4 =	vld [tilespmem:s1+$0xFFFFFE00];
	v5 =	vmul.f32 $8.000000000e+00, v5;
	[tilespmem:s31+$0x180] =	vst v7  }
0x48: {  	[tilespmem:s31+$0xFFFFFE80] =	vst v2;
	v1 =	vmul.f32 $8.000000000e+00, v1;
	v2 =	vld [tilespmem:s1+$0x190]  }
0x49: {  	v7 =	vld [tilespmem:s1+$0xFFFFFE90];
	[tilespmem:s31+$0xFFFFFF00] =	vst v5;
	v3 =	vmul.f32 $8.000000000e+00, v3  }
0x4a: {  	v5 =	vld [tilespmem:s1+$0xFFFFFF10];
	[tilespmem:s31+$0xFFFFFF80] =	vst v1;
	v0 =	vmul.f32 $8.000000000e+00, v0  }
0x4b: {  	v1 =	vld [tilespmem:s1+$0xFFFFFF90];
	[tilespmem:s31+$0x0] =	vst v3;
	v3 =	vmul.f32 $8.000000000e+00, v6  }
0x4c: {  	v4 =	vmul.f32 $8.000000000e+00, v4;
	v6 =	vld [tilespmem:s1+$0x10];
	[tilespmem:s31+$0x80] =	vst v0  }
0x4d: {  	v0 =	vld [tilespmem:s1+$0x90];
	[tilespmem:s31+$0x100] =	vst v3;
	v2 =	vmul.f32 $8.000000000e+00, v2  }
0x4e: {  	[tilespmem:s31+$0xFFFFFE00] =	vst v4;
	v3 =	vmul.f32 $8.000000000e+00, v7;
	v4 =	vld [tilespmem:s1+$0x110]  }
0x4f: {  	v7 =	vld [tilespmem:s1+$0xFFFFFE10];
	v5 =	vmul.f32 $8.000000000e+00, v5;
	[tilespmem:s31+$0x190] =	vst v2  }
0x50: {  	[tilespmem:s31+$0xFFFFFE90] =	vst v3;
	v1 =	vmul.f32 $8.000000000e+00, v1;
	v2 =	vld [tilespmem:s1+$0x1A0]  }
0x51: {  	v3 =	vld [tilespmem:s1+$0xFFFFFEA0];
	[tilespmem:s31+$0xFFFFFF10] =	vst v5;
	v5 =	vmul.f32 $8.000000000e+00, v6  }
0x52: {  	v6 =	vld [tilespmem:s1+$0xFFFFFF20];
	[tilespmem:s31+$0xFFFFFF90] =	vst v1;
	v0 =	vmul.f32 $8.000000000e+00, v0  }
0x53: {  	v1 =	vld [tilespmem:s1+$0xFFFFFFA0];
	[tilespmem:s31+$0x10] =	vst v5;
	v4 =	vmul.f32 $8.000000000e+00, v4  }
0x54: {  	v5 =	vmul.f32 $8.000000000e+00, v7;
	v7 =	vld [tilespmem:s1+$0x20];
	[tilespmem:s31+$0x90] =	vst v0  }
0x55: {  	v0 =	vld [tilespmem:s1+$0xA0];
	[tilespmem:s31+$0x110] =	vst v4;
	v2 =	vmul.f32 $8.000000000e+00, v2  }
0x56: {  	[tilespmem:s31+$0xFFFFFE10] =	vst v5;
	v3 =	vmul.f32 $8.000000000e+00, v3;
	v4 =	vld [tilespmem:s1+$0x120]  }
0x57: {  	v5 =	vld [tilespmem:s1+$0xFFFFFE20];
	v6 =	vmul.f32 $8.000000000e+00, v6;
	[tilespmem:s31+$0x1A0] =	vst v2  }
0x58: {  	[tilespmem:s31+$0xFFFFFEA0] =	vst v3;
	v1 =	vmul.f32 $8.000000000e+00, v1;
	v3 =	vld [tilespmem:s1+$0x1B0]  }
0x59: {  	v8 =	vld [tilespmem:s1+$0xFFFFFEB0];
	[tilespmem:s31+$0xFFFFFF20] =	vst v6;
	v2 =	vmul.f32 $8.000000000e+00, v7  }
0x5a: {  	v7 =	vld [tilespmem:s1+$0xFFFFFF30];
	[tilespmem:s31+$0xFFFFFFA0] =	vst v1;
	v1 =	vmul.f32 $8.000000000e+00, v0  }
.Ltmp0:
0x5b: {  	v0 =	vld [tilespmem:s1+$0xFFFFFFB0];
	[tilespmem:s31+$0x20] =	vst v2;
	v4 =	vmul.f32 $8.000000000e+00, v4;
	(pc) =	sbr.rel @p0 .LBB2_3-.Ltmp0, $4  }
0x5c: {  	v5 =	vmul.f32 $8.000000000e+00, v5;
	v2 =	vld [tilespmem:s1+$0x30];
	[tilespmem:s31+$0xA0] =	vst v1  }
0x5d: {  	v1 =	vld [tilespmem:s1+$0xB0];
	[tilespmem:s31+$0x120] =	vst v4;
	v9 =	vmul.f32 $8.000000000e+00, v3  }
0x5e: {  	[tilespmem:s31+$0xFFFFFE20] =	vst v5;
	v6 =	vmul.f32 $8.000000000e+00, v8;
	v3 =	vld [tilespmem:s1+$0x130]  }
0x5f: {  	v4 =	vld [tilespmem:s1+$0xFFFFFE30];
	v5 =	vmul.f32 $8.000000000e+00, v7;
	[tilespmem:s31+$0x1B0] =	vst v9;
	s1 =	sadd.s32 $0x400, s1  }
0x60: {  	[tilespmem:s31+$0xFFFFFEB0] =	vst v6;
	v0 =	vmul.f32 $8.000000000e+00, v0  }
0x61: {  	[tilespmem:s31+$0xFFFFFF30] =	vst v5;
	v2 =	vmul.f32 $8.000000000e+00, v2  }
0x62: {  	[tilespmem:s31+$0xFFFFFFB0] =	vst v0;
	v0 =	vmul.f32 $8.000000000e+00, v1  }
0x63: {  	[tilespmem:s31+$0x30] =	vst v2;
	v1 =	vmul.f32 $8.000000000e+00, v3  }
0x64: {  	p0 =	seq.s32 s29, $0x31;
	v2 =	vmul.f32 $8.000000000e+00, v4;
	[tilespmem:s31+$0xB0] =	vst v0  }
0x65: {  	s30 =	sshrl.u32 @!p0 s0, $0x2;
	s1 =	simm.s32 @!p0 $0x80;
	[tilespmem:s31+$0x130] =	vst v1  }
0x66: {  	s13 =	simm.s32 @!p0 $0x6400;
	s0 =	sadd.s32 @!p0 $0x200, s30;
	[tilespmem:s31+$0xFFFFFE30] =	vst v2;
	s31 =	sshll.u32 s29, $0x10  }
0x67: {  	[tilespmem:s13], [sflag:$0x1] =	stream.indirect.gather @!p0 [hbm4b:s3+s1], $0x80, s0, s1, $0xb8;
	[tilespmem:$0x1E400] =	vst v63  }
0x68: {  	s13 =	sadd.s32 s4, s31  }
0x69: {  	s0 =	sshrl.u32 s13, $0x3  }
0x6a: {  	s0 =	sadd.s32 s5, s0  }
0x6b: {  	[hbm4b:s0+s2] =	stream.linear.scatter [tilespmem:s20], [sflag:$0x5], $0x4000, $0x38;
	[tilespmem:$0x1E400] =	vst v63  }
0x6c: {  	_ =	swait.ge [sflag:s21], $0x4000  }
0x6d: {  	[sflag:s21] =	ssyncset.done $0x0  }
0x6e: {  	s0 =	simm.s32 @!p1 $0x6;
	[sflag:s21] =	ssyncadd.s32 $0xFFFFC000  }
0x6f: {  	_ =	swait.ge @!p1 [sflag:s0], $0x4000  }
0x70: {  	[sflag:s0] =	ssyncset.done @!p1 $0x0  }
0x71: {  	s13 =	simm.s32 $0xA600;
	[sflag:s0] =	ssyncadd.s32 @!p1 $0xFFFFC000  }
0x72: {  	v0 =	vld [tilespmem:s13+$0x180]  }
0x73: {  	v1 =	vld [tilespmem:s13+$0xFFFFFE80]  }
0x74: {  	v2 =	vld [tilespmem:s13+$0xFFFFFF00]  }
0x75: {  	v3 =	vld [tilespmem:s13+$0xFFFFFF80]  }
0x76: {  	v4 =	vld [tilespmem:s13+$0x0]  }
0x77: {  	v5 =	vld [tilespmem:s13+$0x80];
	v0 =	vmul.f32 $8.000000000e+00, v0  }
0x78: {  	s0 =	simm.s32 $0x1A600;
	v6 =	vld [tilespmem:s13+$0x100];
	v1 =	vmul.f32 $8.000000000e+00, v1  }
0x79: {  	v7 =	vld [tilespmem:s13+$0xFFFFFE00];
	v2 =	vmul.f32 $8.000000000e+00, v2;
	[tilespmem:s0+$0x180] =	vst v0  }
0x7a: {  	[tilespmem:s0+$0xFFFFFE80] =	vst v1;
	v0 =	vmul.f32 $8.000000000e+00, v3;
	v1 =	vld [tilespmem:s13+$0x190]  }
0x7b: {  	[tilespmem:s0+$0xFFFFFF00] =	vst v2;
	v2 =	vmul.f32 $8.000000000e+00, v4;
	v3 =	vld [tilespmem:s13+$0xFFFFFE90]  }
0x7c: {  	v4 =	vld [tilespmem:s13+$0xFFFFFF10];
	[tilespmem:s0+$0xFFFFFF80] =	vst v0;
	v0 =	vmul.f32 $8.000000000e+00, v5  }
0x7d: {  	[tilespmem:s0+$0x0] =	vst v2;
	v2 =	vmul.f32 $8.000000000e+00, v6;
	v5 =	vld [tilespmem:s13+$0xFFFFFF90]  }
0x7e: {  	v6 =	vmul.f32 $8.000000000e+00, v7;
	v7 =	vld [tilespmem:s13+$0x10];
	[tilespmem:s0+$0x80] =	vst v0  }
0x7f: {  	[tilespmem:s0+$0x100] =	vst v2;
	v0 =	vld [tilespmem:s13+$0x90];
	v1 =	vmul.f32 $8.000000000e+00, v1  }
0x80: {  	[tilespmem:s0+$0xFFFFFE00] =	vst v6;
	v2 =	vmul.f32 $8.000000000e+00, v3;
	v3 =	vld [tilespmem:s13+$0x110]  }
0x81: {  	v6 =	vld [tilespmem:s13+$0xFFFFFE10];
	v4 =	vmul.f32 $8.000000000e+00, v4;
	[tilespmem:s0+$0x190] =	vst v1  }
0x82: {  	[tilespmem:s0+$0xFFFFFE90] =	vst v2;
	v1 =	vmul.f32 $8.000000000e+00, v5;
	v2 =	vld [tilespmem:s13+$0x1A0]  }
0x83: {  	[tilespmem:s0+$0xFFFFFF10] =	vst v4;
	v4 =	vmul.f32 $8.000000000e+00, v7;
	v5 =	vld [tilespmem:s13+$0xFFFFFEA0]  }
0x84: {  	v7 =	vld [tilespmem:s13+$0xFFFFFF20];
	[tilespmem:s0+$0xFFFFFF90] =	vst v1;
	v0 =	vmul.f32 $8.000000000e+00, v0  }
0x85: {  	[tilespmem:s0+$0x10] =	vst v4;
	v1 =	vld [tilespmem:s13+$0xFFFFFFA0];
	v3 =	vmul.f32 $8.000000000e+00, v3  }
0x86: {  	v4 =	vmul.f32 $8.000000000e+00, v6;
	v6 =	vld [tilespmem:s13+$0x20];
	[tilespmem:s0+$0x90] =	vst v0  }
0x87: {  	v0 =	vld [tilespmem:s13+$0xA0];
	[tilespmem:s0+$0x110] =	vst v3;
	v2 =	vmul.f32 $8.000000000e+00, v2  }
0x88: {  	[tilespmem:s0+$0xFFFFFE10] =	vst v4;
	v3 =	vmul.f32 $8.000000000e+00, v5;
	v4 =	vld [tilespmem:s13+$0x120]  }
0x89: {  	v5 =	vld [tilespmem:s13+$0xFFFFFE20];
	v7 =	vmul.f32 $8.000000000e+00, v7;
	[tilespmem:s0+$0x1A0] =	vst v2  }
0x8a: {  	[tilespmem:s0+$0xFFFFFEA0] =	vst v3;
	v1 =	vmul.f32 $8.000000000e+00, v1;
	v3 =	vld [tilespmem:s13+$0x1B0]  }
0x8b: {  	[tilespmem:s0+$0xFFFFFF20] =	vst v7;
	v2 =	vmul.f32 $8.000000000e+00, v6;
	v8 =	vld [tilespmem:s13+$0xFFFFFEB0]  }
0x8c: {  	v7 =	vld [tilespmem:s13+$0xFFFFFF30];
	[tilespmem:s0+$0xFFFFFFA0] =	vst v1;
	v1 =	vmul.f32 $8.000000000e+00, v0  }
0x8d: {  	[tilespmem:s0+$0x20] =	vst v2;
	v0 =	vld [tilespmem:s13+$0xFFFFFFB0];
	v4 =	vmul.f32 $8.000000000e+00, v4  }
0x8e: {  	v5 =	vmul.f32 $8.000000000e+00, v5;
	v2 =	vld [tilespmem:s13+$0x30];
	[tilespmem:s0+$0xA0] =	vst v1  }
0x8f: {  	v1 =	vld [tilespmem:s13+$0xB0];
	[tilespmem:s0+$0x120] =	vst v4;
	v9 =	vmul.f32 $8.000000000e+00, v3  }
0x90: {  	[tilespmem:s0+$0xFFFFFE20] =	vst v5;
	v3 =	vld [tilespmem:s13+$0x130];
	v6 =	vmul.f32 $8.000000000e+00, v8  }
0x91: {  	s1 =	simm.s32 $0x0;
	v4 =	vld [tilespmem:s13+$0xFFFFFE30];
	v5 =	vmul.f32 $8.000000000e+00, v7;
	s13 =	simm.s32 $0xAA00;
	[tilespmem:s0+$0x1B0] =	vst v9  }
.LBB2_5:
0x92: {  	v7 =	vld [tilespmem:s13+$0x180];
	s1 =	sadd.s32 $0x8, s1;
	[tilespmem:s0+$0xFFFFFEB0] =	vst v6;
	v0 =	vmul.f32 $8.000000000e+00, v0  }
0x93: {  	v6 =	vld [tilespmem:s13+$0xFFFFFE80];
	p1 =	slt.u32 s1, $0x78;
	[tilespmem:s0+$0xFFFFFF30] =	vst v5;
	v2 =	vmul.f32 $8.000000000e+00, v2  }
0x94: {  	v5 =	vld [tilespmem:s13+$0xFFFFFF00];
	[tilespmem:s0+$0xFFFFFFB0] =	vst v0;
	v0 =	vmul.f32 $8.000000000e+00, v1  }
0x95: {  	v1 =	vld [tilespmem:s13+$0xFFFFFF80];
	[tilespmem:s0+$0x30] =	vst v2;
	v2 =	vmul.f32 $8.000000000e+00, v3  }
0x96: {  	v3 =	vld [tilespmem:s13+$0x0];
	v4 =	vmul.f32 $8.000000000e+00, v4;
	[tilespmem:s0+$0xB0] =	vst v0  }
0x97: {  	v0 =	vld [tilespmem:s13+$0x80];
	v7 =	vmul.f32 $8.000000000e+00, v7;
	[tilespmem:s0+$0x130] =	vst v2  }
0x98: {  	v2 =	vmul.f32 $8.000000000e+00, v6;
	v6 =	vld [tilespmem:s13+$0x100];
	[tilespmem:s0+$0xFFFFFE30] =	vst v4;
	s0 =	sadd.s32 $0x400, s0  }
0x99: {  	v4 =	vld [tilespmem:s13+$0xFFFFFE00];
	v5 =	vmul.f32 $8.000000000e+00, v5;
	[tilespmem:s0+$0x180] =	vst v7  }
0x9a: {  	[tilespmem:s0+$0xFFFFFE80] =	vst v2;
	v1 =	vmul.f32 $8.000000000e+00, v1;
	v2 =	vld [tilespmem:s13+$0x190]  }
0x9b: {  	v7 =	vld [tilespmem:s13+$0xFFFFFE90];
	[tilespmem:s0+$0xFFFFFF00] =	vst v5;
	v3 =	vmul.f32 $8.000000000e+00, v3  }
0x9c: {  	v5 =	vld [tilespmem:s13+$0xFFFFFF10];
	[tilespmem:s0+$0xFFFFFF80] =	vst v1;
	v0 =	vmul.f32 $8.000000000e+00, v0  }
0x9d: {  	v1 =	vld [tilespmem:s13+$0xFFFFFF90];
	[tilespmem:s0+$0x0] =	vst v3;
	v3 =	vmul.f32 $8.000000000e+00, v6  }
0x9e: {  	v4 =	vmul.f32 $8.000000000e+00, v4;
	v6 =	vld [tilespmem:s13+$0x10];
	[tilespmem:s0+$0x80] =	vst v0  }
0x9f: {  	v0 =	vld [tilespmem:s13+$0x90];
	[tilespmem:s0+$0x100] =	vst v3;
	v2 =	vmul.f32 $8.000000000e+00, v2  }
0xa0: {  	[tilespmem:s0+$0xFFFFFE00] =	vst v4;
	v3 =	vmul.f32 $8.000000000e+00, v7;
	v4 =	vld [tilespmem:s13+$0x110]  }
0xa1: {  	v7 =	vld [tilespmem:s13+$0xFFFFFE10];
	v5 =	vmul.f32 $8.000000000e+00, v5;
	[tilespmem:s0+$0x190] =	vst v2  }
0xa2: {  	[tilespmem:s0+$0xFFFFFE90] =	vst v3;
	v1 =	vmul.f32 $8.000000000e+00, v1;
	v2 =	vld [tilespmem:s13+$0x1A0]  }
0xa3: {  	v3 =	vld [tilespmem:s13+$0xFFFFFEA0];
	[tilespmem:s0+$0xFFFFFF10] =	vst v5;
	v5 =	vmul.f32 $8.000000000e+00, v6  }
0xa4: {  	v6 =	vld [tilespmem:s13+$0xFFFFFF20];
	[tilespmem:s0+$0xFFFFFF90] =	vst v1;
	v0 =	vmul.f32 $8.000000000e+00, v0  }
0xa5: {  	v1 =	vld [tilespmem:s13+$0xFFFFFFA0];
	[tilespmem:s0+$0x10] =	vst v5;
	v4 =	vmul.f32 $8.000000000e+00, v4  }
0xa6: {  	v5 =	vmul.f32 $8.000000000e+00, v7;
	v7 =	vld [tilespmem:s13+$0x20];
	[tilespmem:s0+$0x90] =	vst v0  }
0xa7: {  	v0 =	vld [tilespmem:s13+$0xA0];
	[tilespmem:s0+$0x110] =	vst v4;
	v2 =	vmul.f32 $8.000000000e+00, v2  }
0xa8: {  	[tilespmem:s0+$0xFFFFFE10] =	vst v5;
	v3 =	vmul.f32 $8.000000000e+00, v3;
	v4 =	vld [tilespmem:s13+$0x120]  }
0xa9: {  	v5 =	vld [tilespmem:s13+$0xFFFFFE20];
	v6 =	vmul.f32 $8.000000000e+00, v6;
	[tilespmem:s0+$0x1A0] =	vst v2  }
0xaa: {  	[tilespmem:s0+$0xFFFFFEA0] =	vst v3;
	v1 =	vmul.f32 $8.000000000e+00, v1;
	v3 =	vld [tilespmem:s13+$0x1B0]  }
0xab: {  	v8 =	vld [tilespmem:s13+$0xFFFFFEB0];
	[tilespmem:s0+$0xFFFFFF20] =	vst v6;
	v2 =	vmul.f32 $8.000000000e+00, v7  }
0xac: {  	v7 =	vld [tilespmem:s13+$0xFFFFFF30];
	[tilespmem:s0+$0xFFFFFFA0] =	vst v1;
	v1 =	vmul.f32 $8.000000000e+00, v0  }
.Ltmp1:
0xad: {  	v0 =	vld [tilespmem:s13+$0xFFFFFFB0];
	[tilespmem:s0+$0x20] =	vst v2;
	v4 =	vmul.f32 $8.000000000e+00, v4;
	(pc) =	sbr.rel @p1 .LBB2_5-.Ltmp1, $4  }
0xae: {  	v5 =	vmul.f32 $8.000000000e+00, v5;
	v2 =	vld [tilespmem:s13+$0x30];
	[tilespmem:s0+$0xA0] =	vst v1  }
0xaf: {  	v1 =	vld [tilespmem:s13+$0xB0];
	[tilespmem:s0+$0x120] =	vst v4;
	v9 =	vmul.f32 $8.000000000e+00, v3  }
0xb0: {  	[tilespmem:s0+$0xFFFFFE20] =	vst v5;
	v6 =	vmul.f32 $8.000000000e+00, v8;
	v3 =	vld [tilespmem:s13+$0x130]  }
0xb1: {  	v4 =	vld [tilespmem:s13+$0xFFFFFE30];
	v5 =	vmul.f32 $8.000000000e+00, v7;
	[tilespmem:s0+$0x1B0] =	vst v9;
	s13 =	sadd.s32 $0x400, s13  }
0xb2: {  	[tilespmem:s0+$0xFFFFFEB0] =	vst v6;
	v0 =	vmul.f32 $8.000000000e+00, v0  }
0xb3: {  	[tilespmem:s0+$0xFFFFFF30] =	vst v5;
	v2 =	vmul.f32 $8.000000000e+00, v2  }
0xb4: {  	[tilespmem:s0+$0xFFFFFFB0] =	vst v0;
	v0 =	vmul.f32 $8.000000000e+00, v1  }
0xb5: {  	[tilespmem:s0+$0x30] =	vst v2;
	v1 =	vmul.f32 $8.000000000e+00, v3  }
0xb6: {  	v2 =	vmul.f32 $8.000000000e+00, v4;
	[tilespmem:s0+$0xB0] =	vst v0  }
0xb7: {  	[tilespmem:s0+$0x130] =	vst v1  }
0xb8: {  	s1 =	simm.s32 @!p0 $0x80;
	s13 =	simm.s32 @!p0 $0xA400;
	[tilespmem:s0+$0xFFFFFE30] =	vst v2;
	s0 =	sadd.s32 @!p0 $0x280, s30  }
0xb9: {  	[tilespmem:s13], [sflag:$0x2] =	stream.indirect.gather @!p0 [hbm4b:s3+s1], $0x80, s0, s1, $0xb8;
	[tilespmem:$0x1E400] =	vst v63  }
0xba: {  	s13 =	sadd.s32 s31, s7  }
0xbb: {  	s0 =	sshrl.u32 s13, $0x3  }
0xbc: {  	s0 =	sadd.s32 s5, s0  }
0xbd: {  	[hbm4b:s0+s2] =	stream.linear.scatter [tilespmem:s22], [sflag:$0x6], $0x4000, $0x38;
	[tilespmem:$0x1E400] =	vst v63  }
0xbe: {  	_ =	swait.ge [sflag:s23], $0x4000  }
0xbf: {  	[sflag:s23] =	ssyncset.done $0x0  }
0xc0: {  	[sflag:s23] =	ssyncadd.s32 $0xFFFFC000  }
0xc1: {  	_ =	swait.ge [sflag:s24], $0x4000  }
0xc2: {  	[sflag:s24] =	ssyncset.done $0x0  }
0xc3: {  	s13 =	simm.s32 $0xE600;
	[sflag:s24] =	ssyncadd.s32 $0xFFFFC000  }
0xc4: {  	v0 =	vld [tilespmem:s13+$0x180]  }
0xc5: {  	v1 =	vld [tilespmem:s13+$0xFFFFFE80]  }
0xc6: {  	v2 =	vld [tilespmem:s13+$0xFFFFFF00]  }
0xc7: {  	v3 =	vld [tilespmem:s13+$0xFFFFFF80]  }
0xc8: {  	v4 =	vld [tilespmem:s13+$0x0]  }
0xc9: {  	v5 =	vld [tilespmem:s13+$0x80];
	v0 =	vmul.f32 $8.000000000e+00, v0  }
0xca: {  	s0 =	simm.s32 $0x16600;
	v6 =	vld [tilespmem:s13+$0x100];
	v1 =	vmul.f32 $8.000000000e+00, v1  }
0xcb: {  	v7 =	vld [tilespmem:s13+$0xFFFFFE00];
	v2 =	vmul.f32 $8.000000000e+00, v2;
	[tilespmem:s0+$0x180] =	vst v0  }
0xcc: {  	[tilespmem:s0+$0xFFFFFE80] =	vst v1;
	v0 =	vmul.f32 $8.000000000e+00, v3;
	v1 =	vld [tilespmem:s13+$0x190]  }
0xcd: {  	[tilespmem:s0+$0xFFFFFF00] =	vst v2;
	v2 =	vmul.f32 $8.000000000e+00, v4;
	v3 =	vld [tilespmem:s13+$0xFFFFFE90]  }
0xce: {  	v4 =	vld [tilespmem:s13+$0xFFFFFF10];
	[tilespmem:s0+$0xFFFFFF80] =	vst v0;
	v0 =	vmul.f32 $8.000000000e+00, v5  }
0xcf: {  	[tilespmem:s0+$0x0] =	vst v2;
	v2 =	vmul.f32 $8.000000000e+00, v6;
	v5 =	vld [tilespmem:s13+$0xFFFFFF90]  }
0xd0: {  	v6 =	vmul.f32 $8.000000000e+00, v7;
	v7 =	vld [tilespmem:s13+$0x10];
	[tilespmem:s0+$0x80] =	vst v0  }
0xd1: {  	[tilespmem:s0+$0x100] =	vst v2;
	v0 =	vld [tilespmem:s13+$0x90];
	v1 =	vmul.f32 $8.000000000e+00, v1  }
0xd2: {  	[tilespmem:s0+$0xFFFFFE00] =	vst v6;
	v2 =	vmul.f32 $8.000000000e+00, v3;
	v3 =	vld [tilespmem:s13+$0x110]  }
0xd3: {  	v6 =	vld [tilespmem:s13+$0xFFFFFE10];
	v4 =	vmul.f32 $8.000000000e+00, v4;
	[tilespmem:s0+$0x190] =	vst v1  }
0xd4: {  	[tilespmem:s0+$0xFFFFFE90] =	vst v2;
	v1 =	vmul.f32 $8.000000000e+00, v5;
	v2 =	vld [tilespmem:s13+$0x1A0]  }
0xd5: {  	[tilespmem:s0+$0xFFFFFF10] =	vst v4;
	v4 =	vmul.f32 $8.000000000e+00, v7;
	v5 =	vld [tilespmem:s13+$0xFFFFFEA0]  }
0xd6: {  	v7 =	vld [tilespmem:s13+$0xFFFFFF20];
	[tilespmem:s0+$0xFFFFFF90] =	vst v1;
	v0 =	vmul.f32 $8.000000000e+00, v0  }
0xd7: {  	[tilespmem:s0+$0x10] =	vst v4;
	v1 =	vld [tilespmem:s13+$0xFFFFFFA0];
	v3 =	vmul.f32 $8.000000000e+00, v3  }
0xd8: {  	v4 =	vmul.f32 $8.000000000e+00, v6;
	v6 =	vld [tilespmem:s13+$0x20];
	[tilespmem:s0+$0x90] =	vst v0  }
0xd9: {  	v0 =	vld [tilespmem:s13+$0xA0];
	[tilespmem:s0+$0x110] =	vst v3;
	v2 =	vmul.f32 $8.000000000e+00, v2  }
0xda: {  	[tilespmem:s0+$0xFFFFFE10] =	vst v4;
	v3 =	vmul.f32 $8.000000000e+00, v5;
	v4 =	vld [tilespmem:s13+$0x120]  }
0xdb: {  	v5 =	vld [tilespmem:s13+$0xFFFFFE20];
	v7 =	vmul.f32 $8.000000000e+00, v7;
	[tilespmem:s0+$0x1A0] =	vst v2  }
0xdc: {  	[tilespmem:s0+$0xFFFFFEA0] =	vst v3;
	v1 =	vmul.f32 $8.000000000e+00, v1;
	v3 =	vld [tilespmem:s13+$0x1B0]  }
0xdd: {  	[tilespmem:s0+$0xFFFFFF20] =	vst v7;
	v2 =	vmul.f32 $8.000000000e+00, v6;
	v8 =	vld [tilespmem:s13+$0xFFFFFEB0]  }
0xde: {  	v7 =	vld [tilespmem:s13+$0xFFFFFF30];
	[tilespmem:s0+$0xFFFFFFA0] =	vst v1;
	v1 =	vmul.f32 $8.000000000e+00, v0  }
0xdf: {  	[tilespmem:s0+$0x20] =	vst v2;
	v0 =	vld [tilespmem:s13+$0xFFFFFFB0];
	v4 =	vmul.f32 $8.000000000e+00, v4  }
0xe0: {  	v5 =	vmul.f32 $8.000000000e+00, v5;
	v2 =	vld [tilespmem:s13+$0x30];
	[tilespmem:s0+$0xA0] =	vst v1  }
0xe1: {  	v1 =	vld [tilespmem:s13+$0xB0];
	[tilespmem:s0+$0x120] =	vst v4;
	v9 =	vmul.f32 $8.000000000e+00, v3  }
0xe2: {  	[tilespmem:s0+$0xFFFFFE20] =	vst v5;
	v3 =	vld [tilespmem:s13+$0x130];
	v6 =	vmul.f32 $8.000000000e+00, v8  }
0xe3: {  	s1 =	simm.s32 $0x0;
	v4 =	vld [tilespmem:s13+$0xFFFFFE30];
	v5 =	vmul.f32 $8.000000000e+00, v7;
	s13 =	simm.s32 $0xEA00;
	[tilespmem:s0+$0x1B0] =	vst v9  }
.LBB2_7:
0xe4: {  	v7 =	vld [tilespmem:s13+$0x180];
	s1 =	sadd.s32 $0x8, s1;
	[tilespmem:s0+$0xFFFFFEB0] =	vst v6;
	v0 =	vmul.f32 $8.000000000e+00, v0  }
0xe5: {  	v6 =	vld [tilespmem:s13+$0xFFFFFE80];
	p1 =	slt.u32 s1, $0x78;
	[tilespmem:s0+$0xFFFFFF30] =	vst v5;
	v2 =	vmul.f32 $8.000000000e+00, v2  }
0xe6: {  	v5 =	vld [tilespmem:s13+$0xFFFFFF00];
	[tilespmem:s0+$0xFFFFFFB0] =	vst v0;
	v0 =	vmul.f32 $8.000000000e+00, v1  }
0xe7: {  	v1 =	vld [tilespmem:s13+$0xFFFFFF80];
	[tilespmem:s0+$0x30] =	vst v2;
	v2 =	vmul.f32 $8.000000000e+00, v3  }
0xe8: {  	v3 =	vld [tilespmem:s13+$0x0];
	v4 =	vmul.f32 $8.000000000e+00, v4;
	[tilespmem:s0+$0xB0] =	vst v0  }
0xe9: {  	v0 =	vld [tilespmem:s13+$0x80];
	v7 =	vmul.f32 $8.000000000e+00, v7;
	[tilespmem:s0+$0x130] =	vst v2  }
0xea: {  	v2 =	vmul.f32 $8.000000000e+00, v6;
	v6 =	vld [tilespmem:s13+$0x100];
	[tilespmem:s0+$0xFFFFFE30] =	vst v4;
	s0 =	sadd.s32 $0x400, s0  }
0xeb: {  	v4 =	vld [tilespmem:s13+$0xFFFFFE00];
	v5 =	vmul.f32 $8.000000000e+00, v5;
	[tilespmem:s0+$0x180] =	vst v7  }
0xec: {  	[tilespmem:s0+$0xFFFFFE80] =	vst v2;
	v1 =	vmul.f32 $8.000000000e+00, v1;
	v2 =	vld [tilespmem:s13+$0x190]  }
0xed: {  	v7 =	vld [tilespmem:s13+$0xFFFFFE90];
	[tilespmem:s0+$0xFFFFFF00] =	vst v5;
	v3 =	vmul.f32 $8.000000000e+00, v3  }
0xee: {  	v5 =	vld [tilespmem:s13+$0xFFFFFF10];
	[tilespmem:s0+$0xFFFFFF80] =	vst v1;
	v0 =	vmul.f32 $8.000000000e+00, v0  }
0xef: {  	v1 =	vld [tilespmem:s13+$0xFFFFFF90];
	[tilespmem:s0+$0x0] =	vst v3;
	v3 =	vmul.f32 $8.000000000e+00, v6  }
0xf0: {  	v4 =	vmul.f32 $8.000000000e+00, v4;
	v6 =	vld [tilespmem:s13+$0x10];
	[tilespmem:s0+$0x80] =	vst v0  }
0xf1: {  	v0 =	vld [tilespmem:s13+$0x90];
	[tilespmem:s0+$0x100] =	vst v3;
	v2 =	vmul.f32 $8.000000000e+00, v2  }
0xf2: {  	[tilespmem:s0+$0xFFFFFE00] =	vst v4;
	v3 =	vmul.f32 $8.000000000e+00, v7;
	v4 =	vld [tilespmem:s13+$0x110]  }
0xf3: {  	v7 =	vld [tilespmem:s13+$0xFFFFFE10];
	v5 =	vmul.f32 $8.000000000e+00, v5;
	[tilespmem:s0+$0x190] =	vst v2  }
0xf4: {  	[tilespmem:s0+$0xFFFFFE90] =	vst v3;
	v1 =	vmul.f32 $8.000000000e+00, v1;
	v2 =	vld [tilespmem:s13+$0x1A0]  }
0xf5: {  	v3 =	vld [tilespmem:s13+$0xFFFFFEA0];
	[tilespmem:s0+$0xFFFFFF10] =	vst v5;
	v5 =	vmul.f32 $8.000000000e+00, v6  }
0xf6: {  	v6 =	vld [tilespmem:s13+$0xFFFFFF20];
	[tilespmem:s0+$0xFFFFFF90] =	vst v1;
	v0 =	vmul.f32 $8.000000000e+00, v0  }
0xf7: {  	v1 =	vld [tilespmem:s13+$0xFFFFFFA0];
	[tilespmem:s0+$0x10] =	vst v5;
	v4 =	vmul.f32 $8.000000000e+00, v4  }
0xf8: {  	v5 =	vmul.f32 $8.000000000e+00, v7;
	v7 =	vld [tilespmem:s13+$0x20];
	[tilespmem:s0+$0x90] =	vst v0  }
0xf9: {  	v0 =	vld [tilespmem:s13+$0xA0];
	[tilespmem:s0+$0x110] =	vst v4;
	v2 =	vmul.f32 $8.000000000e+00, v2  }
0xfa: {  	[tilespmem:s0+$0xFFFFFE10] =	vst v5;
	v3 =	vmul.f32 $8.000000000e+00, v3;
	v4 =	vld [tilespmem:s13+$0x120]  }
0xfb: {  	v5 =	vld [tilespmem:s13+$0xFFFFFE20];
	v6 =	vmul.f32 $8.000000000e+00, v6;
	[tilespmem:s0+$0x1A0] =	vst v2  }
0xfc: {  	[tilespmem:s0+$0xFFFFFEA0] =	vst v3;
	v1 =	vmul.f32 $8.000000000e+00, v1;
	v3 =	vld [tilespmem:s13+$0x1B0]  }
0xfd: {  	v8 =	vld [tilespmem:s13+$0xFFFFFEB0];
	[tilespmem:s0+$0xFFFFFF20] =	vst v6;
	v2 =	vmul.f32 $8.000000000e+00, v7  }
0xfe: {  	v7 =	vld [tilespmem:s13+$0xFFFFFF30];
	[tilespmem:s0+$0xFFFFFFA0] =	vst v1;
	v1 =	vmul.f32 $8.000000000e+00, v0  }
.Ltmp2:
0xff: {  	v0 =	vld [tilespmem:s13+$0xFFFFFFB0];
	[tilespmem:s0+$0x20] =	vst v2;
	v4 =	vmul.f32 $8.000000000e+00, v4;
	(pc) =	sbr.rel @p1 .LBB2_7-.Ltmp2, $4  }
0x100: {  	v5 =	vmul.f32 $8.000000000e+00, v5;
	v2 =	vld [tilespmem:s13+$0x30];
	[tilespmem:s0+$0xA0] =	vst v1  }
0x101: {  	v1 =	vld [tilespmem:s13+$0xB0];
	[tilespmem:s0+$0x120] =	vst v4;
	v9 =	vmul.f32 $8.000000000e+00, v3  }
0x102: {  	[tilespmem:s0+$0xFFFFFE20] =	vst v5;
	v6 =	vmul.f32 $8.000000000e+00, v8;
	v3 =	vld [tilespmem:s13+$0x130]  }
0x103: {  	v4 =	vld [tilespmem:s13+$0xFFFFFE30];
	v5 =	vmul.f32 $8.000000000e+00, v7;
	[tilespmem:s0+$0x1B0] =	vst v9;
	s13 =	sadd.s32 $0x400, s13  }
0x104: {  	[tilespmem:s0+$0xFFFFFEB0] =	vst v6;
	v0 =	vmul.f32 $8.000000000e+00, v0  }
0x105: {  	[tilespmem:s0+$0xFFFFFF30] =	vst v5;
	v2 =	vmul.f32 $8.000000000e+00, v2  }
0x106: {  	[tilespmem:s0+$0xFFFFFFB0] =	vst v0;
	v0 =	vmul.f32 $8.000000000e+00, v1  }
0x107: {  	[tilespmem:s0+$0x30] =	vst v2;
	v1 =	vmul.f32 $8.000000000e+00, v3  }
0x108: {  	v2 =	vmul.f32 $8.000000000e+00, v4;
	[tilespmem:s0+$0xB0] =	vst v0  }
0x109: {  	[tilespmem:s0+$0x130] =	vst v1  }
0x10a: {  	s1 =	simm.s32 @!p0 $0x80;
	s13 =	simm.s32 @!p0 $0xE400;
	[tilespmem:s0+$0xFFFFFE30] =	vst v2;
	s0 =	sadd.s32 @!p0 $0x300, s30  }
0x10b: {  	[tilespmem:s13], [sflag:$0x3] =	stream.indirect.gather @!p0 [hbm4b:s3+s1], $0x80, s0, s1, $0xb8;
	[tilespmem:$0x1E400] =	vst v63  }
0x10c: {  	s13 =	sadd.s32 s31, s8  }
0x10d: {  	s0 =	sshrl.u32 s13, $0x3  }
0x10e: {  	s0 =	sadd.s32 s5, s0  }
0x10f: {  	[hbm4b:s0+s2] =	stream.linear.scatter [tilespmem:s20], [sflag:$0x5], $0x4000, $0x38;
	[tilespmem:$0x1E400] =	vst v63  }
0x110: {  	_ =	swait.ge [sflag:s25], $0x4000  }
0x111: {  	[sflag:s25] =	ssyncset.done $0x0  }
0x112: {  	[sflag:s25] =	ssyncadd.s32 $0xFFFFC000  }
0x113: {  	_ =	swait.ge [sflag:s26], $0x4000  }
0x114: {  	[sflag:s26] =	ssyncset.done $0x0  }
0x115: {  	s13 =	simm.s32 $0x12600;
	[sflag:s26] =	ssyncadd.s32 $0xFFFFC000  }
0x116: {  	v0 =	vld [tilespmem:s13+$0x180]  }
0x117: {  	v1 =	vld [tilespmem:s13+$0xFFFFFE80]  }
0x118: {  	v2 =	vld [tilespmem:s13+$0xFFFFFF00]  }
0x119: {  	v3 =	vld [tilespmem:s13+$0xFFFFFF80]  }
0x11a: {  	v4 =	vld [tilespmem:s13+$0x0]  }
0x11b: {  	v5 =	vld [tilespmem:s13+$0x80];
	v0 =	vmul.f32 $8.000000000e+00, v0  }
0x11c: {  	s0 =	simm.s32 $0x1A600;
	v6 =	vld [tilespmem:s13+$0x100];
	v1 =	vmul.f32 $8.000000000e+00, v1  }
0x11d: {  	v7 =	vld [tilespmem:s13+$0xFFFFFE00];
	v2 =	vmul.f32 $8.000000000e+00, v2;
	[tilespmem:s0+$0x180] =	vst v0  }
0x11e: {  	[tilespmem:s0+$0xFFFFFE80] =	vst v1;
	v0 =	vmul.f32 $8.000000000e+00, v3;
	v1 =	vld [tilespmem:s13+$0x190]  }
0x11f: {  	[tilespmem:s0+$0xFFFFFF00] =	vst v2;
	v2 =	vmul.f32 $8.000000000e+00, v4;
	v3 =	vld [tilespmem:s13+$0xFFFFFE90]  }
0x120: {  	v4 =	vld [tilespmem:s13+$0xFFFFFF10];
	[tilespmem:s0+$0xFFFFFF80] =	vst v0;
	v0 =	vmul.f32 $8.000000000e+00, v5  }
0x121: {  	[tilespmem:s0+$0x0] =	vst v2;
	v2 =	vmul.f32 $8.000000000e+00, v6;
	v5 =	vld [tilespmem:s13+$0xFFFFFF90]  }
0x122: {  	v6 =	vmul.f32 $8.000000000e+00, v7;
	v7 =	vld [tilespmem:s13+$0x10];
	[tilespmem:s0+$0x80] =	vst v0  }
0x123: {  	[tilespmem:s0+$0x100] =	vst v2;
	v0 =	vld [tilespmem:s13+$0x90];
	v1 =	vmul.f32 $8.000000000e+00, v1  }
0x124: {  	[tilespmem:s0+$0xFFFFFE00] =	vst v6;
	v2 =	vmul.f32 $8.000000000e+00, v3;
	v3 =	vld [tilespmem:s13+$0x110]  }
0x125: {  	v6 =	vld [tilespmem:s13+$0xFFFFFE10];
	v4 =	vmul.f32 $8.000000000e+00, v4;
	[tilespmem:s0+$0x190] =	vst v1  }
0x126: {  	[tilespmem:s0+$0xFFFFFE90] =	vst v2;
	v1 =	vmul.f32 $8.000000000e+00, v5;
	v2 =	vld [tilespmem:s13+$0x1A0]  }
0x127: {  	[tilespmem:s0+$0xFFFFFF10] =	vst v4;
	v4 =	vmul.f32 $8.000000000e+00, v7;
	v5 =	vld [tilespmem:s13+$0xFFFFFEA0]  }
0x128: {  	v7 =	vld [tilespmem:s13+$0xFFFFFF20];
	[tilespmem:s0+$0xFFFFFF90] =	vst v1;
	v0 =	vmul.f32 $8.000000000e+00, v0  }
0x129: {  	[tilespmem:s0+$0x10] =	vst v4;
	v1 =	vld [tilespmem:s13+$0xFFFFFFA0];
	v3 =	vmul.f32 $8.000000000e+00, v3  }
0x12a: {  	v4 =	vmul.f32 $8.000000000e+00, v6;
	v6 =	vld [tilespmem:s13+$0x20];
	[tilespmem:s0+$0x90] =	vst v0  }
0x12b: {  	v0 =	vld [tilespmem:s13+$0xA0];
	[tilespmem:s0+$0x110] =	vst v3;
	v2 =	vmul.f32 $8.000000000e+00, v2  }
0x12c: {  	[tilespmem:s0+$0xFFFFFE10] =	vst v4;
	v3 =	vmul.f32 $8.000000000e+00, v5;
	v4 =	vld [tilespmem:s13+$0x120]  }
0x12d: {  	v5 =	vld [tilespmem:s13+$0xFFFFFE20];
	v7 =	vmul.f32 $8.000000000e+00, v7;
	[tilespmem:s0+$0x1A0] =	vst v2  }
0x12e: {  	[tilespmem:s0+$0xFFFFFEA0] =	vst v3;
	v1 =	vmul.f32 $8.000000000e+00, v1;
	v3 =	vld [tilespmem:s13+$0x1B0]  }
0x12f: {  	[tilespmem:s0+$0xFFFFFF20] =	vst v7;
	v2 =	vmul.f32 $8.000000000e+00, v6;
	v8 =	vld [tilespmem:s13+$0xFFFFFEB0]  }
0x130: {  	v7 =	vld [tilespmem:s13+$0xFFFFFF30];
	[tilespmem:s0+$0xFFFFFFA0] =	vst v1;
	v1 =	vmul.f32 $8.000000000e+00, v0  }
0x131: {  	[tilespmem:s0+$0x20] =	vst v2;
	v0 =	vld [tilespmem:s13+$0xFFFFFFB0];
	v4 =	vmul.f32 $8.000000000e+00, v4  }
0x132: {  	v5 =	vmul.f32 $8.000000000e+00, v5;
	v2 =	vld [tilespmem:s13+$0x30];
	[tilespmem:s0+$0xA0] =	vst v1  }
0x133: {  	v1 =	vld [tilespmem:s13+$0xB0];
	[tilespmem:s0+$0x120] =	vst v4;
	v9 =	vmul.f32 $8.000000000e+00, v3  }
0x134: {  	[tilespmem:s0+$0xFFFFFE20] =	vst v5;
	v3 =	vld [tilespmem:s13+$0x130];
	v6 =	vmul.f32 $8.000000000e+00, v8  }
0x135: {  	s1 =	simm.s32 $0x0;
	v4 =	vld [tilespmem:s13+$0xFFFFFE30];
	v5 =	vmul.f32 $8.000000000e+00, v7;
	s13 =	simm.s32 $0x12A00;
	[tilespmem:s0+$0x1B0] =	vst v9  }
.LBB2_9:
0x136: {  	v7 =	vld [tilespmem:s13+$0x180];
	s1 =	sadd.s32 $0x8, s1;
	[tilespmem:s0+$0xFFFFFEB0] =	vst v6;
	v0 =	vmul.f32 $8.000000000e+00, v0  }
0x137: {  	v6 =	vld [tilespmem:s13+$0xFFFFFE80];
	p1 =	slt.u32 s1, $0x78;
	[tilespmem:s0+$0xFFFFFF30] =	vst v5;
	v2 =	vmul.f32 $8.000000000e+00, v2  }
0x138: {  	v5 =	vld [tilespmem:s13+$0xFFFFFF00];
	[tilespmem:s0+$0xFFFFFFB0] =	vst v0;
	v0 =	vmul.f32 $8.000000000e+00, v1  }
0x139: {  	v1 =	vld [tilespmem:s13+$0xFFFFFF80];
	[tilespmem:s0+$0x30] =	vst v2;
	v2 =	vmul.f32 $8.000000000e+00, v3  }
0x13a: {  	v3 =	vld [tilespmem:s13+$0x0];
	v4 =	vmul.f32 $8.000000000e+00, v4;
	[tilespmem:s0+$0xB0] =	vst v0  }
0x13b: {  	v0 =	vld [tilespmem:s13+$0x80];
	v7 =	vmul.f32 $8.000000000e+00, v7;
	[tilespmem:s0+$0x130] =	vst v2  }
0x13c: {  	v2 =	vmul.f32 $8.000000000e+00, v6;
	v6 =	vld [tilespmem:s13+$0x100];
	[tilespmem:s0+$0xFFFFFE30] =	vst v4;
	s0 =	sadd.s32 $0x400, s0  }
0x13d: {  	v4 =	vld [tilespmem:s13+$0xFFFFFE00];
	v5 =	vmul.f32 $8.000000000e+00, v5;
	[tilespmem:s0+$0x180] =	vst v7  }
0x13e: {  	[tilespmem:s0+$0xFFFFFE80] =	vst v2;
	v1 =	vmul.f32 $8.000000000e+00, v1;
	v2 =	vld [tilespmem:s13+$0x190]  }
0x13f: {  	v7 =	vld [tilespmem:s13+$0xFFFFFE90];
	[tilespmem:s0+$0xFFFFFF00] =	vst v5;
	v3 =	vmul.f32 $8.000000000e+00, v3  }
0x140: {  	v5 =	vld [tilespmem:s13+$0xFFFFFF10];
	[tilespmem:s0+$0xFFFFFF80] =	vst v1;
	v0 =	vmul.f32 $8.000000000e+00, v0  }
0x141: {  	v1 =	vld [tilespmem:s13+$0xFFFFFF90];
	[tilespmem:s0+$0x0] =	vst v3;
	v3 =	vmul.f32 $8.000000000e+00, v6  }
0x142: {  	v4 =	vmul.f32 $8.000000000e+00, v4;
	v6 =	vld [tilespmem:s13+$0x10];
	[tilespmem:s0+$0x80] =	vst v0  }
0x143: {  	v0 =	vld [tilespmem:s13+$0x90];
	[tilespmem:s0+$0x100] =	vst v3;
	v2 =	vmul.f32 $8.000000000e+00, v2  }
0x144: {  	[tilespmem:s0+$0xFFFFFE00] =	vst v4;
	v3 =	vmul.f32 $8.000000000e+00, v7;
	v4 =	vld [tilespmem:s13+$0x110]  }
0x145: {  	v7 =	vld [tilespmem:s13+$0xFFFFFE10];
	v5 =	vmul.f32 $8.000000000e+00, v5;
	[tilespmem:s0+$0x190] =	vst v2  }
0x146: {  	[tilespmem:s0+$0xFFFFFE90] =	vst v3;
	v1 =	vmul.f32 $8.000000000e+00, v1;
	v2 =	vld [tilespmem:s13+$0x1A0]  }
0x147: {  	v3 =	vld [tilespmem:s13+$0xFFFFFEA0];
	[tilespmem:s0+$0xFFFFFF10] =	vst v5;
	v5 =	vmul.f32 $8.000000000e+00, v6  }
0x148: {  	v6 =	vld [tilespmem:s13+$0xFFFFFF20];
	[tilespmem:s0+$0xFFFFFF90] =	vst v1;
	v0 =	vmul.f32 $8.000000000e+00, v0  }
0x149: {  	v1 =	vld [tilespmem:s13+$0xFFFFFFA0];
	[tilespmem:s0+$0x10] =	vst v5;
	v4 =	vmul.f32 $8.000000000e+00, v4  }
0x14a: {  	v5 =	vmul.f32 $8.000000000e+00, v7;
	v7 =	vld [tilespmem:s13+$0x20];
	[tilespmem:s0+$0x90] =	vst v0  }
0x14b: {  	v0 =	vld [tilespmem:s13+$0xA0];
	[tilespmem:s0+$0x110] =	vst v4;
	v2 =	vmul.f32 $8.000000000e+00, v2  }
0x14c: {  	[tilespmem:s0+$0xFFFFFE10] =	vst v5;
	v3 =	vmul.f32 $8.000000000e+00, v3;
	v4 =	vld [tilespmem:s13+$0x120]  }
0x14d: {  	v5 =	vld [tilespmem:s13+$0xFFFFFE20];
	v6 =	vmul.f32 $8.000000000e+00, v6;
	[tilespmem:s0+$0x1A0] =	vst v2  }
0x14e: {  	[tilespmem:s0+$0xFFFFFEA0] =	vst v3;
	v1 =	vmul.f32 $8.000000000e+00, v1;
	v3 =	vld [tilespmem:s13+$0x1B0]  }
0x14f: {  	v8 =	vld [tilespmem:s13+$0xFFFFFEB0];
	[tilespmem:s0+$0xFFFFFF20] =	vst v6;
	v2 =	vmul.f32 $8.000000000e+00, v7  }
0x150: {  	v7 =	vld [tilespmem:s13+$0xFFFFFF30];
	[tilespmem:s0+$0xFFFFFFA0] =	vst v1;
	v1 =	vmul.f32 $8.000000000e+00, v0  }
.Ltmp3:
0x151: {  	v0 =	vld [tilespmem:s13+$0xFFFFFFB0];
	[tilespmem:s0+$0x20] =	vst v2;
	v4 =	vmul.f32 $8.000000000e+00, v4;
	(pc) =	sbr.rel @p1 .LBB2_9-.Ltmp3, $4  }
0x152: {  	v5 =	vmul.f32 $8.000000000e+00, v5;
	v2 =	vld [tilespmem:s13+$0x30];
	[tilespmem:s0+$0xA0] =	vst v1  }
0x153: {  	v1 =	vld [tilespmem:s13+$0xB0];
	[tilespmem:s0+$0x120] =	vst v4;
	v9 =	vmul.f32 $8.000000000e+00, v3  }
0x154: {  	[tilespmem:s0+$0xFFFFFE20] =	vst v5;
	v6 =	vmul.f32 $8.000000000e+00, v8;
	v3 =	vld [tilespmem:s13+$0x130]  }
0x155: {  	v4 =	vld [tilespmem:s13+$0xFFFFFE30];
	v5 =	vmul.f32 $8.000000000e+00, v7;
	[tilespmem:s0+$0x1B0] =	vst v9;
	s13 =	sadd.s32 $0x400, s13  }
0x156: {  	[tilespmem:s0+$0xFFFFFEB0] =	vst v6;
	v0 =	vmul.f32 $8.000000000e+00, v0  }
0x157: {  	[tilespmem:s0+$0xFFFFFF30] =	vst v5;
	v2 =	vmul.f32 $8.000000000e+00, v2  }
0x158: {  	[tilespmem:s0+$0xFFFFFFB0] =	vst v0;
	v61 =	vmul.f32 $8.000000000e+00, v1  }
0x159: {  	[tilespmem:s0+$0x30] =	vst v2;
	v62 =	vmul.f32 $8.000000000e+00, v3  }
0x15a: {  	v63 =	vmul.f32 $8.000000000e+00, v4;
	[tilespmem:s0+$0xB0] =	vst v61  }
0x15b: {  	s1 =	simm.s32 @!p0 $0x80;
	[tilespmem:s0+$0x130] =	vst v62  }
0x15c: {  	s13 =	simm.s32 @!p0 $0x12400;
	s29 =	sadd.s32 $0x1, s29;
	[tilespmem:s0+$0xFFFFFE30] =	vst v63;
	s0 =	sadd.s32 @!p0 $0x380, s30  }
0x15d: {  	[tilespmem:s13], [sflag:$0x4] =	stream.indirect.gather @!p0 [hbm4b:s3+s1], $0x80, s0, s1, $0xb8;
	[tilespmem:$0x1E400] =	vst v63  }
0x15e: {  	p0 =	sne.s32 s29, $0x32  }
.Ltmp4:
0x15f: {  	_ = 	snop;
	(pc) =	sbr.rel @p0 .LBB2_2-.Ltmp4, $4  }
0x160: {  	s31 =	sadd.s32 s31, s9  }
0x161: {  	s0 =	sshrl.u32 s31, $0x3  }
0x162: {  	s0 =	sadd.s32 s5, s0  }
0x163: {  	[hbm4b:s0+s2] =	stream.linear.scatter [tilespmem:s22], [sflag:$0x6], $0x4000, $0x38;
	[tilespmem:$0x1E400] =	vst v63  }
0x164: {  	s28 =	sadd.s32 $0x1, s28  }
0x165: {  	_ =	swait.ge [sflag:s24], $0x4000;
	p0 =	sne.s32 s28, s10  }
.Ltmp5:
0x166: {  	[sflag:s24] =	ssyncset.done $0x0;
	(pc) =	sbr.rel @p0 .LBB2_1-.Ltmp5, $4  }
0x167: {  	[sflag:s24] =	ssyncadd.s32 $0xFFFFC000  }
0x168: {  	_ =	swait.ge [sflag:s26], $0x4000  }
0x169: {  	[sflag:s26] =	ssyncset.done $0x0  }
0x16a: {  	[sflag:s26] =	ssyncadd.s32 $0xFFFFC000  }
0x16b: {  	_ =	sfence.sel $0x180000  }
0x16c: {  	[bflag:$0x0] =	sbarrier.arrive $0xFFFF  }
0x16d: {  	_ =	strace $0x90000047  }
0x16e: {  	s0 =	stileid.u32;
	[bflag:$0x2] =	sbarrier.arrive $0xFFFF  }
0x16f: {  	p0 =	sne.s32 s0, $0x0;
	s0 =	rddreg [dreg:$0x2]  }
0x170: {  	s0 =	sadd.s32 @!p0 $0x100000, s0  }
0x171: {  	[sflag:s0] =	ssyncadd.tile.s32 @!p0 $0x1;
	_ =	shalt  }
.Lfunc_end2:
_tile_overlayer_lowered:
.L_overlay_start_2:
0x172: {  	(tag) =	ssettag $0x2  }
0x173: {  	s0 =	rddreg [dreg:$0x0];
	s2 =	stileid.u32  }
0x174: {  	s1 =	rddreg [dreg:$0x1];
	p0 =	sne.s32 s2, $0x0  }
0x175: {  	s3 =	rddreg [dreg:$0x2];
	[bflag:$0x3] =	sbarrier.arrive $0xFFFF;
	s2 =	simm.s32 @!p0 $0x1C07  }
0x176: {  	[timem:s3], [sflag:s2] =	dma.local @!p0 [hbm:s0], s1  }
0x177: {  	s0 =	simm.s32 @!p0 $0x7  }
0x178: {  	_ =	swait.ge @!p0 [sflag:s0], s1  }
0x179: {  	s1 =	ssub.s32 @!p0 $0x0, s1;
	[sflag:s0] =	ssyncset.done @!p0 $0x0  }
0x17a: {  	[sflag:s0] =	ssyncadd.s32 @!p0 s1  }
0x17b: {  	[bflag:$0x3] =	sbarrier.arrive $0xFFFF  }
0x17c: {  	_ =	shalt  }

// kernel: sparse-core-data-format-call.cloned.1.call-start
scs
called_computation_lowered:
.L_overlay_start_0:
0x0: {  	s2 =	sld [smem:$0x3FD9]  }
0x1: {  	s3 =	sld [smem:$0x3FFE];
	_ =	sdelay $0x1  }
0x2: {  	s1 =	srdreg.scid  }
0x3: {  	s0 =	sand.u32 $0x1, s1  }
0x4: {  	s18 =	sshll.u32 s0, $0xA;
	s2 =	sadd.s32 s3, s2  }
0x5: {  	s2 =	sadd.s32 s2, s18  }
0x6: {  	[smem:$0x3FC6] =	sst s2  }
0x7: {  	_ = 	snop  }
0x8: {  	s2 =	sld [smem:$0x3FD0];
	(tm) =	ssettm $0x1  }
0x9: {  	s19 =	sld [smem:$0x3FFB];
	_ =	sdelay $0x3  }
0xa: {  	_ =	strace s19  }
0xb: {  	s3 =	sld [smem:$0x3FFC];
	_ =	sdelay $0x3  }
0xc: {  	_ =	strace s3  }
0xd: {  	s3 =	sld [smem:$0x3FFD];
	_ =	sdelay $0x3  }
0xe: {  	_ =	strace s3  }
0xf: {  	_ =	strace $0x8FFFFFFF  }
0x10: {  	s20 =	sld [smem:$0x3FDB];
	_ =	sdelay $0x1  }
0x11: {  	s4 =	simm.s32 $_scs_section_size  }
0x12: {  	s5 =	simm.s32 $_size__tile_overlayer_lowered;
	s6 =	simm.s32 $_tile_overlayer_lowered  }
0x13: {  	s23 =	simm.s32 $0x1BFF;
	s22 =	sshll.u32 s6, $0x1;
	s3 =	sadd.s32 s4, s20  }
0x14: {  	s7 =	simm.s32 $0x0;
	s21 =	sshll.u32 s5, $0x1;
	s5 =	sadd.s32 s22, s3  }
0x15: {  	[timem:s7], [sflag:s23] =	dma.local [hbm:s5], s21  }
0x16: {  	_ =	swait.ge [sflag:s23], s21  }
0x17: {  	s4 =	ssub.s32 $0x0, s21;
	[sflag:s23] =	ssyncset.done $0x0  }
0x18: {  	[sflag:s23] =	ssyncadd.s32 s4;
	_ =	sdelay $0x1  }
0x19: {  	s24 =	simm.s32 $0x1B8B  }
0x1a: {  	_ =	swait.ge [sflag:s24], $0x1  }
0x1b: {  	[sflag:s24] =	ssyncset.done $0x0  }
0x1c: {  	s26 =	simm.s32 $0x1B8E;
	s25 =	sld [smem:$0x3FFE];
	[sflag:s24] =	ssyncadd.s32 $0xFFFFFFFF  }
0x1d: {  	s27 =	simm.s32 $execute0_lowered;
	[smem:$0x3FD2] =	sst s26  }
0x1e: {  	s5 =	sshll.u32 s27, $0x1;
	_ =	strace $0x80000049;
	[dreg:$0x1] =	wrdreg $0xFFFFFFFF  }
0x1f: {  	s28 =	simm.s32 $_size_execute0_lowered;
	s3 =	sadd.s32 s3, s5;
	[dreg:$0x0] =	wrdreg $0x0  }
0x20: {  	s5 =	sshll.u32 s28, $0x1;
	[dreg:$0x2] =	wrdreg s3  }
0x21: {  	[dreg:$0x3] =	wrdreg s5  }
0x22: {  	[dreg:$0x4] =	wrdreg $0xC0  }
0x23: {  	_ =	task [dreg:s7], $0x5FFFF  }
0x24: {  	[dreg:$0x1] =	wrdreg $0xFFFFFFFF  }
0x25: {  	[dreg:$0x0] =	wrdreg $0x60  }
0x26: {  	[dreg:$0x2] =	wrdreg s25  }
0x27: {  	[dreg:$0x3] =	wrdreg s2  }
0x28: {  	[dreg:$0x4] =	wrdreg $0x9  }
0x29: {  	_ =	task.clear_ibuf [dreg:s7], $0x5FFFF;
	_ =	strace $0x90000049  }
0x2a: {  	s29 =	simm.s32 $0x9;
	_ =	strace $0x8000004B  }
0x2b: {  	_ =	swait.ge [sflag:s29], $0x1  }
0x2c: {  	[sflag:s29] =	ssyncadd.s32 $0xFFFFFFFF  }
0x2d: {  	_ =	strace $0x9000004B  }
0x2e: {  	_ =	sfence  }
0x2f: {  	s30 =	sld [smem:$0x0];
	_ =	sdelay $0x2  }
0x30: {  	s31 =	sshll.u32 s1, $0xD;
	s1 =	sshrl.u32 s1, $0x2  }
0x31: {  	s3 =	sand.u32 $0x4000, s31;
	s1 =	sadd.s32 s1, s30  }
0x32: {  	s0 =	sor.u32 s3, s0;
	s1 =	sshll.u32 s1, $0x11  }
0x33: {  	s0 =	sor.u32 s1, s0  }
0x34: {  	s0 =	sadd.s32 $0x8F2B, s0  }
0x35: {  	[sflag:s0] =	ssyncadd.remote.s32 $0x1  }
0x36: {  	_ =	sfence.sel $0xFFFF  }
0x37: {  	[dreg:$0x0] =	wrdreg $0xFFFFFFFF;
	(pc) =	sbr.abs _section_cstart, $3  }
0x38: {  	[dreg:$0x1] =	wrdreg $0xFFFFFFFF  }
0x39: {  	_ =	task.clear_ibuf [dreg:s7], $0x2FFFF;
	_ =	strace $0x9FFFFFFF  }
0x3a: {  	(tm) =	ssettm $0x7FFFFFFF  }
0x3b: {  	_ =	shalt  }
tec
execute0_lowered:
.L_overlay_start_1:
0x0: {  	(tag) =	ssettag $0x1  }
0x1: {  	s0 =	srdreg.scid  }
0x2: {  	s1 =	sshll.u32 s0, $0x4  }
0x3: {  	s0 =	stileid.u32;
	s1 =	sand.u32 $0x10, s1  }
0x4: {  	s1 =	sor.u32 s0, s1  }
0x5: {  	s6 =	rddreg [dreg:$0x0];
	s4 =	simm.s32 $0x1;
	s2 =	sshll.u32 s1, $0x7  }
0x6: {  	s7 =	simm.s32 $0x2;
	s12 =	simm.s32 $0x0;
	s1 =	ssub.s32 $0x1000, s2  }
0x7: {  	s8 =	simm.s32 $0x8000;
	s13 =	simm.s32 $0x0;
	s3 =	sand.u32 $0xF80, s1  }
0x8: {  	s9 =	simm.s32 $0x0;
	s5 =	sshrl.u32 s1, $0xC;
	p0 =	sne.s32 s3, $0x0  }
.Ltmp0:
0x9: {  	s1 =	rddreg [dreg:$0x2];
	s4 =	simm.s32 @!p0 $0x0;
	(pc) =	sbr.rel .LBB1_1-.Ltmp0, $4  }
0xa: {  	s11 =	simm.s32 $0x0;
	s3 =	rddreg [dreg:$0x1];
	s5 =	sadd.s32 s4, s5  }
0xb: {  	_ =	strace $0x8000004A;
	s4 =	simm.s32 $0x1;
	s5 =	smul.u32 $0xC8, s5  }
0xc: {  	s6 =	sadd.s32 $0xA00, s6;
	s10 =	smov.u32 s2;
	[sflag:s4] =	ssyncpa.u1 $0x0  }
0xd: {  	p0 =	por $0x0, $0x0;
	[sflag:s7] =	ssyncpa.u1 $0x0;
	s7 =	sor.u32 $0x1, s5  }
.LBB1_4:
0xe: {  	s16 =	sshll.u32 s13, $0x3;
	s17 =	sand.u32 $0x78, s13  }
0xf: {  	s30 =	sand.u32 $0x7E00, s13;
	s12 =	sshll.u32 s12, $0xF;
	s16 =	sand.u32 $0xC00, s16  }
0x10: {  	[tilespmem:s15+$0x810 ss:$0x81] =	vst.msk $0xffff, v2;
	s31 =	sand.u32 $0x7, s13;
	s16 =	sor.u32 s17, s16;
	s17 =	sadd.s32 s3, s30  }
0x11: {  	[tilespmem:s15+$0x1020 ss:$0x81] =	vst.msk $0xffff, v0;
	s13 =	sshll.u32 s31, $0x12;
	s12 =	sadd.s32 s12, s17;
	s16 =	sshrl.u32 s16, $0x3  }
0x12: {  	[tilespmem:s15+$0x0 ss:$0x81] =	vst.msk $0xffff, v1;
	s13 =	sor.u32 $0x400, s13;
	s12 =	sadd.s32 s16, s12  }
0x13: {  	[hbm4b:s12+s13] =	stream.strided.scatter [tilespmem:s14], [sflag:$0x2], $0x2000, s8, s13, $0x20;
	[tilespmem:$0x8080] =	vst v63  }
.LBB1_5:
0x14: {  	s14 =	sadd.s32 $0x1, s9  }
0x15: {  	s12 =	sadd.s32 $0x1000, s10;
	s16 =	smov.u32 s10;
	p2 =	sgt.s32 s14, $0xC7  }
0x16: {  	s16 =	smov.u32 @p2 s12  }
0x17: {  	s14 =	simm.s32 @p2 $0x0;
	p2 =	sgt.s32 s16, $0xFFF  }
0x18: {  	s16 =	smov.u32 @p2 s2;
	p2 =	sne.s32 s11, s7  }
.Ltmp1:
0x19: {  	p1 =	slt.u32 s11, $0x2;
	(pc) =	sbr.rel @!p2 .LBB1_6-.Ltmp1, $4  }
0x1a: {  	s15 =	simm.s32 @!p1 $0x2  }
0x1b: {  	s13 =	smov.u32 s10;
	p0 =	por !p0, !p0;
	_ =	swait.ge @!p1 [sflag:s15], $0x2000  }
0x1c: {  	s12 =	smov.u32 s9;
	[sflag:s15] =	ssyncset.done @!p1 $0x0;
	s9 =	smov.u32 s14  }
0x1d: {  	s11 =	sadd.s32 $0x1, s11;
	[sflag:s15] =	ssyncadd.s32 @!p1 $0xFFFFE000;
	s10 =	smov.u32 s16  }
.LBB1_1:
0x1e: {  	p1 =	sge.u32 s11, s5  }
0x1f: {  	s14 =	sand.u32 @!p1 $0x1FFFFFF, s9  }
0x20: {  	s15 =	smulhi.u32 @!p1 $0x147AE15, s14;
	_ =	sdelay $0x1  }
0x21: {  	s15 =	smul.u32 @!p1 $0xC8, s15  }
0x22: {  	s16 =	sxor.u32 @!p1 $0xFFFFFFFF, s11;
	s17 =	smul.u32 @!p1 $0xC80, s10  }
0x23: {  	s31 =	sadd.s32 $0xFFFFFFFF, s11;
	s16 =	sshll.u32 @!p1 s16, $0xD;
	s14 =	ssub.s32 @!p1 s14, s15  }
0x24: {  	s15 =	sand.u32 @!p1 $0x2000, s16;
	s16 =	sadd.s32 @!p1 s6, s17;
	s14 =	sshll.u32 @!p1 s14, $0x4  }
0x25: {  	s17 =	simm.s32 @!p1 $0x6400;
	s14 =	sadd.s32 @!p1 s14, s16;
	s16 =	simm.s32 @!p1 $0x40  }
0x26: {  	[tilespmem:s15], [sflag:$0x1] =	stream.strided.gather @!p1 [hbm4b:s14+s16], $0x2000, s17, s16, $0x38;
	[tilespmem:$0x8080] =	vst v63  }
0x27: {  	p1 =	sge.u32 s31, s5  }
.Ltmp2:
0x28: {  	_ = 	snop;
	(pc) =	sbr.rel @p1 .LBB1_5-.Ltmp2, $1  }
0x29: {  	_ =	sdelay $0x3  }
0x2a: {  	s14 =	simm.s32 $0x1  }
0x2b: {  	_ =	swait.ge [sflag:s4], $0x2000;
	s14 =	simm.s32 @!p0 $0x0  }
0x2c: {  	[sflag:s4] =	ssyncset.done $0x0;
	s15 =	sshll.u32 s14, $0xD  }
0x2d: {  	[sflag:s4] =	ssyncadd.s32 $0xFFFFE000;
	s18 =	sor.u32 $0x20, s15  }
0x2e: {  	s14 =	smul.u32 $0x8100, s14;
	v3 =	vld [tilespmem:s18+$0x10]  }
0x2f: {  	s30 =	sand.u32 $0x1, s11;
	v2 =	vld [tilespmem:s18+$0xFFFFFFF0]  }
0x30: {  	s15 =	smul.u32 $0x8100, s30;
	s14 =	sshrl.u32 s14, $0x2;
	v0 =	vld [tilespmem:s18+$0x0]  }
0x31: {  	v1 =	vld [tilespmem:s18+$0xFFFFFFE0];
	s16 =	sor.u32 $0x4000, s14  }
0x32: {  	s31 =	sshrl.u32 s15, $0x2;
	s15 =	sadd.s32 $0x0, s16  }
0x33: {  	s17 =	simm.s32 $0x4;
	s18 =	sadd.s32 $0x40, s18;
	s14 =	sor.u32 $0x4000, s31;
	[tilespmem:s15+$0x1830 ss:$0x81] =	vst.msk $0xffff, v3  }
.LBB1_3:
0x34: {  	v3 =	vld [tilespmem:s18+$0x10];
	p1 =	sne.s32 s17, $0x1FC;
	[tilespmem:s15+$0x810 ss:$0x81] =	vst.msk $0xffff, v2;
	s19 =	smov.u32 s17;
	s17 =	sadd.s32 $0x4, s17  }
.Ltmp3:
0x35: {  	v2 =	vld [tilespmem:s18+$0xFFFFFFF0];
	[tilespmem:s15+$0x1020 ss:$0x81] =	vst.msk $0xffff, v0;
	(pc) =	sbr.rel @p1 .LBB1_3-.Ltmp3, $4  }
0x36: {  	v0 =	vld [tilespmem:s18+$0x0];
	[tilespmem:s15+$0x0 ss:$0x81] =	vst.msk $0xffff, v1  }
0x37: {  	s15 =	sshra.s32 s19, $0x2;
	v1 =	vld [tilespmem:s18+$0xFFFFFFE0]  }
0x38: {  	s15 =	sadd.s32 s15, s16  }
0x39: {  	s18 =	sadd.s32 $0x40, s18;
	[tilespmem:s15+$0x1830 ss:$0x81] =	vst.msk $0xffff, v3  }
.Ltmp4:
0x3a: {  	_ = 	snop;
	(pc) =	sbr.rel .LBB1_4-.Ltmp4, $1  }
0x3b: {  	_ =	sdelay $0x3  }
.LBB1_6:
0x3c: {  	_ =	sfence.sel $0x180000  }
0x3d: {  	s2 =	simm.s32 $0x1;
	[bflag:$0x0] =	sbarrier.arrive $0xFFFF  }
0x3e: {  	s31 =	simm.s32 $0x2;
	[sflag:s2] =	ssyncpa.u1 $0x1  }
0x3f: {  	[sflag:s31] =	ssyncpa.u1 $0x1  }
0x40: {  	p0 =	sne.s32 s0, $0x0;
	_ =	strace $0x9000004A  }
0x41: {  	s0 =	sadd.s32 @!p0 $0x100000, s1;
	[bflag:$0x2] =	sbarrier.arrive $0xFFFF  }
0x42: {  	[sflag:s0] =	ssyncadd.tile.s32 @!p0 $0x1;
	_ =	shalt  }
.Lfunc_end1:
_tile_overlayer_lowered:
.L_overlay_start_2:
0x43: {  	(tag) =	ssettag $0x2  }
0x44: {  	s0 =	rddreg [dreg:$0x0];
	s2 =	stileid.u32  }
0x45: {  	s1 =	rddreg [dreg:$0x1];
	p0 =	sne.s32 s2, $0x0  }
0x46: {  	s3 =	rddreg [dreg:$0x2];
	[bflag:$0x3] =	sbarrier.arrive $0xFFFF;
	s2 =	simm.s32 @!p0 $0x1C01  }
0x47: {  	[timem:s3], [sflag:s2] =	dma.local @!p0 [hbm:s0], s1  }
0x48: {  	s0 =	simm.s32 @!p0 $0x1  }
0x49: {  	_ =	swait.ge @!p0 [sflag:s0], s1  }
0x4a: {  	s1 =	ssub.s32 @!p0 $0x0, s1;
	[sflag:s0] =	ssyncset.done @!p0 $0x0  }
0x4b: {  	[sflag:s0] =	ssyncadd.s32 @!p0 s1  }
0x4c: {  	[bflag:$0x3] =	sbarrier.arrive $0xFFFF  }
0x4d: {  	_ =	shalt  }

</sc_bundles>
